<compile_context>
chip_gen: v7x
topology: tpu7x:2x2x1
jax: 0.10.2.dev20260603
libtpu: 0.0.44.dev20260713+nightly
codegen_flags: <defaults>
</compile_context>

<pallas_src>
import functools

import jax
import jax.numpy as jnp
from jax import lax
from jax.experimental import pallas as pl
from jax.experimental.pallas import tpu as pltpu
from jax.experimental.pallas import tpu_sc as plsc

_B, _W = 16384, 100
_NC, _NS, _L = 2, 16, 16
_NW = _NC * _NS
_RPW = _B // _NW

_TC_GRID = 8
_TC_ROWS = _B // _TC_GRID
_OUT_R = 128


def _pack_keys(v, rev_iota):
    b = lax.bitcast_convert_type(v, jnp.int32)
    mask = (b >> 31) & jnp.int32(0x7FFFFFFF)
    return ((b ^ mask) & jnp.int32(~127)) | rev_iota


def _tc_stats_body(pred_ref, targ_ref, a_ref, t_ref, val_ref):
    x = pred_ref[...]
    y = targ_ref[...]
    rev_iota = jnp.int32(127) - lax.broadcasted_iota(
        jnp.int32, (_TC_ROWS, _W), 1)

    kp = jnp.max(_pack_keys(x, rev_iota), axis=1)
    a = jnp.int32(127) - (kp & jnp.int32(127))
    minv = kp ^ ((kp >> 31) & jnp.int32(0x7FFFFFFF))
    m = lax.bitcast_convert_type(minv, jnp.float32)

    s = jnp.sum(jnp.exp(x), axis=1)

    kt = jnp.max(_pack_keys(y, rev_iota), axis=1)
    t = jnp.int32(127) - (kt & jnp.int32(127))

    val = jnp.where(a != t, jnp.exp(m) / s, jnp.float32(0.0))

    rows = _TC_ROWS // _OUT_R
    a_ref[...] = a.reshape(rows, _OUT_R)
    t_ref[...] = t.reshape(rows, _OUT_R)
    val_ref[...] = val.reshape(rows, _OUT_R)


def _make_tc_stats():
    rows = _TC_ROWS // _OUT_R
    return pl.pallas_call(
        _tc_stats_body,
        grid=(_TC_GRID,),
        in_specs=[
            pl.BlockSpec((_TC_ROWS, _W), lambda g: (g, 0)),
            pl.BlockSpec((_TC_ROWS, _W), lambda g: (g, 0)),
        ],
        out_specs=[
            pl.BlockSpec((rows, _OUT_R), lambda g: (g, 0)),
            pl.BlockSpec((rows, _OUT_R), lambda g: (g, 0)),
            pl.BlockSpec((rows, _OUT_R), lambda g: (g, 0)),
        ],
        out_shape=[
            jax.ShapeDtypeStruct((_OUT_R, _OUT_R), jnp.int32),
            jax.ShapeDtypeStruct((_OUT_R, _OUT_R), jnp.int32),
            jax.ShapeDtypeStruct((_OUT_R, _OUT_R), jnp.float32),
        ],
    )


_SLAB_R = _RPW // _OUT_R


def _make_sc_gather():
    mesh = plsc.VectorSubcoreMesh(
        core_axis_name="c", subcore_axis_name="s",
        num_cores=_NC, num_subcores=_NS)

    @functools.partial(
        pl.kernel,
        mesh=mesh,
        compiler_params=pltpu.CompilerParams(needs_layout_passes=False),
        out_type=jax.ShapeDtypeStruct((_NW, _L), jnp.float32),
        scratch_types=[
            pltpu.VMEM((_SLAB_R, _OUT_R), jnp.int32),
            pltpu.VMEM((_SLAB_R, _OUT_R), jnp.int32),
            pltpu.VMEM((_SLAB_R, _OUT_R), jnp.float32),
            pltpu.VMEM((_W * _W,), jnp.float32),
            pltpu.VMEM((_L,), jnp.float32),
            pltpu.SemaphoreType.DMA,
            pltpu.SemaphoreType.DMA,
            pltpu.SemaphoreType.DMA,
            pltpu.SemaphoreType.DMA,
        ],
    )
    def sc_gather(a_hbm, t_hbm, val_hbm, pm_hbm, out_hbm,
                  a_v, t_v, val_v, pm_v, acc_v, sem0, sem1, sem2, sem3):
        wid = lax.axis_index("s") * _NC + lax.axis_index("c")
        r0 = wid * _SLAB_R
        h0 = pltpu.async_copy(pm_hbm, pm_v, sem0)
        h1 = pltpu.async_copy(a_hbm.at[pl.ds(r0, _SLAB_R)], a_v, sem1)
        h2 = pltpu.async_copy(t_hbm.at[pl.ds(r0, _SLAB_R)], t_v, sem2)
        h3 = pltpu.async_copy(val_hbm.at[pl.ds(r0, _SLAB_R)], val_v, sem3)
        h0.wait()
        h1.wait()
        h2.wait()
        h3.wait()

        acc = jnp.zeros((_L,), jnp.float32)
        for r in range(_SLAB_R):
            for cb in range(_OUT_R // _L):
                c = cb * _L
                av = a_v[r, pl.ds(c, _L)]
                tv = t_v[r, pl.ds(c, _L)]
                vv = val_v[r, pl.ds(c, _L)]
                pmv = plsc.load_gather(pm_v, [tv * _W + av])
                acc = acc + pmv * vv
        acc_v[...] = acc
        pltpu.sync_copy(acc_v, out_hbm.at[wid])

    return sc_gather


_CALLS = {}


def kernel(predict, target, penalty_matrix):
    if not _CALLS:
        _CALLS["tc"] = _make_tc_stats()
        _CALLS["sc"] = jax.jit(_make_sc_gather())
    a, t, val = _CALLS["tc"](predict, target)
    partials = _CALLS["sc"](a, t, val, penalty_matrix.reshape(-1))
    return jnp.sum(partials) / jnp.float32(predict.shape[0])

# --- scband reference (transcript-rebuilt; emitter-appended) ---
"""Pipeline reference for scband-cross-entropy-loss-weight3-1211180778080 (READ-ONLY COPY).

The authoritative reference and input builder live on the scoring server;
editing this copy changes nothing except your own understanding.
"""

import jax, jax.numpy as jnp
import numpy as np


def _build_penalty_matrix(counts_list):
    counts = np.array(counts_list, dtype=np.float64)
    pm = np.maximum(counts[:, None], counts[None, :]) / (counts[:, None] + counts[None, :])
    np.fill_diagonal(pm, 1.0)
    return jnp.asarray(pm, dtype=jnp.float32)


def setup_inputs(seed: int = 0) -> dict:
    key = jax.random.key(seed)
    k1, k2 = jax.random.split(key)
    B, W = 16384, 100
    predict = jax.random.normal(k1, (B, W), dtype=jnp.float32)
    target = jax.random.uniform(k2, (B, W), dtype=jnp.float32)
    labels_num_count = [100 + i for i in range(W)]
    penalty_matrix = _build_penalty_matrix(labels_num_count)
    return {"predict": predict, "target": target, "penalty_matrix": penalty_matrix}


def reference(predict, target, penalty_matrix):
    B, W = predict.shape
    # 'logpredict' in the original is actually softmax(predict)
    ex = jnp.exp(predict)
    logpredict = ex / jnp.sum(ex, axis=-1, keepdims=True)
    preids = jnp.argmax(predict, axis=-1)
    tarids = jnp.argmax(target, axis=-1)
    # In the torch code, scatter_ first writes 1 at preids, then the loop
    # overwrites that same position: penalty_matrix[tar, pre] if mismatch else 0.
    vals = jnp.where(preids != tarids, penalty_matrix[tarids, preids], jnp.zeros_like(penalty_matrix[tarids, preids]))
    predict_onehot = jnp.zeros_like(predict).at[jnp.arange(B), preids].set(vals)
    loss = jnp.mean(jnp.sum(predict_onehot * logpredict, axis=-1))
    return loss

if __name__ == "__main__":
    import jax
    _d = setup_inputs()
    print(jax.jit(kernel)(*tuple(_d.values())))

</pallas_src>

<mosaic_0001>
#map = affine_map<(d0, d1) -> (0, 0)>
#map1 = affine_map<(d0, d1) -> (0)>
module attributes {stable_mosaic.version = 14 : i64} {
  func.func @sc_gather(%arg0: i32, %arg1: i32, %arg2: memref<128x128xi32, #tpu.memory_space<hbm>>, %arg3: memref<128x128xi32, #tpu.memory_space<hbm>>, %arg4: memref<128x128xf32, #tpu.memory_space<hbm>>, %arg5: memref<10000xf32, #tpu.memory_space<hbm>>, %arg6: memref<32x16xf32, #tpu.memory_space<hbm>>, %arg7: memref<4x128xi32, #tpu.memory_space<vmem>>, %arg8: memref<4x128xi32, #tpu.memory_space<vmem>>, %arg9: memref<4x128xf32, #tpu.memory_space<vmem>>, %arg10: memref<10000xf32, #tpu.memory_space<vmem>>, %arg11: memref<16xf32, #tpu.memory_space<vmem>>, %arg12: memref<!tpu.dma_semaphore, #tpu.memory_space<semaphore_mem>>, %arg13: memref<!tpu.dma_semaphore, #tpu.memory_space<semaphore_mem>>, %arg14: memref<!tpu.dma_semaphore, #tpu.memory_space<semaphore_mem>>, %arg15: memref<!tpu.dma_semaphore, #tpu.memory_space<semaphore_mem>>) attributes {dimension_semantics = [#tpu.dimension_semantics<core_parallel>, #tpu.dimension_semantics<subcore_parallel>], iteration_bounds = array<i64: 2, 16>, scalar_prefetch = 0 : i64, scratch_operands = 9 : i64, tpu.core_type = #tpu.core_type<sc_vector_subcore>, window_params = [{transform_indices = #map}, {transform_indices = #map}, {transform_indices = #map}, {transform_indices = #map1}, {transform_indices = #map}]} {
    %mul3A = arith.constant 2 : i32
    %mul3A_0 = arith.muli %arg1, %mul3A : i32
    %add3A = arith.addi %mul3A_0, %arg0 : i32
    %mul3A_1 = arith.constant 4 : i32
    %mul3A_2 = arith.muli %add3A, %mul3A_1 : i32
    tpu.enqueue_dma source(%arg5 : memref<10000xf32, #tpu.memory_space<hbm>>) target(%arg10 : memref<10000xf32, #tpu.memory_space<vmem>>) target_semaphore(%arg12 : memref<!tpu.dma_semaphore, #tpu.memory_space<semaphore_mem>>)
    %dma_start3A = arith.constant 0 : i32
    %dma_start3A_3 = tpu.memref_slice %arg2[%mul3A_2, %dma_start3A] : memref<128x128xi32, #tpu.memory_space<hbm>> -> memref<4x128xi32, #tpu.memory_space<hbm>>
    %dma_start3A_4 = arith.constant 0 : i32
    %dma_start3A_5 = tpu.memref_slice %arg2[%mul3A_2, %dma_start3A_4] : memref<128x128xi32, #tpu.memory_space<hbm>> -> memref<4x128xi32, #tpu.memory_space<hbm>>
    tpu.enqueue_dma source(%dma_start3A_5 : memref<4x128xi32, #tpu.memory_space<hbm>>) target(%arg7 : memref<4x128xi32, #tpu.memory_space<vmem>>) target_semaphore(%arg13 : memref<!tpu.dma_semaphore, #tpu.memory_space<semaphore_mem>>)
    %dma_start3A_6 = arith.constant 0 : i32
    %dma_start3A_7 = tpu.memref_slice %arg3[%mul3A_2, %dma_start3A_6] : memref<128x128xi32, #tpu.memory_space<hbm>> -> memref<4x128xi32, #tpu.memory_space<hbm>>
    %dma_start3A_8 = arith.constant 0 : i32
    %dma_start3A_9 = tpu.memref_slice %arg3[%mul3A_2, %dma_start3A_8] : memref<128x128xi32, #tpu.memory_space<hbm>> -> memref<4x128xi32, #tpu.memory_space<hbm>>
    tpu.enqueue_dma source(%dma_start3A_9 : memref<4x128xi32, #tpu.memory_space<hbm>>) target(%arg8 : memref<4x128xi32, #tpu.memory_space<vmem>>) target_semaphore(%arg14 : memref<!tpu.dma_semaphore, #tpu.memory_space<semaphore_mem>>)
    %dma_start3A_10 = arith.constant 0 : i32
    %dma_start3A_11 = tpu.memref_slice %arg4[%mul3A_2, %dma_start3A_10] : memref<128x128xf32, #tpu.memory_space<hbm>> -> memref<4x128xf32, #tpu.memory_space<hbm>>
    %dma_start3A_12 = arith.constant 0 : i32
    %dma_start3A_13 = tpu.memref_slice %arg4[%mul3A_2, %dma_start3A_12] : memref<128x128xf32, #tpu.memory_space<hbm>> -> memref<4x128xf32, #tpu.memory_space<hbm>>
    tpu.enqueue_dma source(%dma_start3A_13 : memref<4x128xf32, #tpu.memory_space<hbm>>) target(%arg9 : memref<4x128xf32, #tpu.memory_space<vmem>>) target_semaphore(%arg15 : memref<!tpu.dma_semaphore, #tpu.memory_space<semaphore_mem>>)
    tpu.wait_dma2 semaphore(%arg12 : memref<!tpu.dma_semaphore, #tpu.memory_space<semaphore_mem>>) src(%arg5 : memref<10000xf32, #tpu.memory_space<hbm>>) dst(%arg10 : memref<10000xf32, #tpu.memory_space<vmem>>)
    %dma_wait3A = arith.constant 0 : i32
    %dma_wait3A_14 = tpu.memref_slice %arg2[%mul3A_2, %dma_wait3A] : memref<128x128xi32, #tpu.memory_space<hbm>> -> memref<4x128xi32, #tpu.memory_space<hbm>>
    %dma_wait3A_15 = arith.constant 0 : i32
    %dma_wait3A_16 = tpu.memref_slice %arg2[%mul3A_2, %dma_wait3A_15] : memref<128x128xi32, #tpu.memory_space<hbm>> -> memref<4x128xi32, #tpu.memory_space<hbm>>
    tpu.wait_dma2 semaphore(%arg13 : memref<!tpu.dma_semaphore, #tpu.memory_space<semaphore_mem>>) src(%dma_wait3A_16 : memref<4x128xi32, #tpu.memory_space<hbm>>) dst(%arg7 : memref<4x128xi32, #tpu.memory_space<vmem>>)
    %dma_wait3A_17 = arith.constant 0 : i32
    %dma_wait3A_18 = tpu.memref_slice %arg3[%mul3A_2, %dma_wait3A_17] : memref<128x128xi32, #tpu.memory_space<hbm>> -> memref<4x128xi32, #tpu.memory_space<hbm>>
    %dma_wait3A_19 = arith.constant 0 : i32
    %dma_wait3A_20 = tpu.memref_slice %arg3[%mul3A_2, %dma_wait3A_19] : memref<128x128xi32, #tpu.memory_space<hbm>> -> memref<4x128xi32, #tpu.memory_space<hbm>>
    tpu.wait_dma2 semaphore(%arg14 : memref<!tpu.dma_semaphore, #tpu.memory_space<semaphore_mem>>) src(%dma_wait3A_20 : memref<4x128xi32, #tpu.memory_space<hbm>>) dst(%arg8 : memref<4x128xi32, #tpu.memory_space<vmem>>)
    %dma_wait3A_21 = arith.constant 0 : i32
    %dma_wait3A_22 = tpu.memref_slice %arg4[%mul3A_2, %dma_wait3A_21] : memref<128x128xf32, #tpu.memory_space<hbm>> -> memref<4x128xf32, #tpu.memory_space<hbm>>
    %dma_wait3A_23 = arith.constant 0 : i32
    %dma_wait3A_24 = tpu.memref_slice %arg4[%mul3A_2, %dma_wait3A_23] : memref<128x128xf32, #tpu.memory_space<hbm>> -> memref<4x128xf32, #tpu.memory_space<hbm>>
    tpu.wait_dma2 semaphore(%arg15 : memref<!tpu.dma_semaphore, #tpu.memory_space<semaphore_mem>>) src(%dma_wait3A_24 : memref<4x128xf32, #tpu.memory_space<hbm>>) dst(%arg9 : memref<4x128xf32, #tpu.memory_space<vmem>>)
    %broadcast_in_dim3A = arith.constant 0.000000e+00 : f32
    %broadcast_in_dim3A_25 = vector.broadcast %broadcast_in_dim3A : f32 to vector<16xf32>
    %get3A = arith.constant 0 : i32
    %get3A_26 = arith.index_cast %get3A : i32 to index
    %get3A_27 = arith.constant 0 : index
    %get3A_28 = tpu.vector_load %arg7[%get3A_26, %get3A_27] {strides = array<i32>} : memref<4x128xi32, #tpu.memory_space<vmem>>, vector<16xi32>,
    %get3A_29 = arith.constant 0 : i32
    %get3A_30 = arith.index_cast %get3A_29 : i32 to index
    %get3A_31 = arith.constant 0 : index
    %get3A_32 = tpu.vector_load %arg8[%get3A_30, %get3A_31] {strides = array<i32>} : memref<4x128xi32, #tpu.memory_space<vmem>>, vector<16xi32>,
    %get3A_33 = arith.constant 0 : i32
    %get3A_34 = arith.index_cast %get3A_33 : i32 to index
    %get3A_35 = arith.constant 0 : index
    %get3A_36 = tpu.vector_load %arg9[%get3A_34, %get3A_35] {strides = array<i32>} : memref<4x128xf32, #tpu.memory_space<vmem>>, vector<16xf32>,
    %mul3A_37 = arith.constant 100 : i32
    %mul3A_38 = vector.broadcast %mul3A_37 : i32 to vector<16xi32>
    %mul3A_39 = arith.muli %get3A_32, %mul3A_38 : vector<16xi32>
    %add3A_40 = arith.addi %mul3A_39, %get3A_28 : vector<16xi32>
    %gather3A = tpu.vector_load_idx %arg10[%add3A_40] : memref<10000xf32, #tpu.memory_space<vmem>>[vector<16xi32>], vector<16xf32>,
    %mul3A_41 = arith.mulf %gather3A, %get3A_36 : vector<16xf32>
    %add3A_42 = arith.addf %broadcast_in_dim3A_25, %mul3A_41 : vector<16xf32>
    %get3A_43 = arith.constant 0 : i32
    %get3A_44 = arith.index_cast %get3A_43 : i32 to index
    %get3A_45 = arith.constant 16 : index
    %get3A_46 = tpu.vector_load %arg7[%get3A_44, %get3A_45] {strides = array<i32>} : memref<4x128xi32, #tpu.memory_space<vmem>>, vector<16xi32>,
    %get3A_47 = arith.constant 0 : i32
    %get3A_48 = arith.index_cast %get3A_47 : i32 to index
    %get3A_49 = arith.constant 16 : index
    %get3A_50 = tpu.vector_load %arg8[%get3A_48, %get3A_49] {strides = array<i32>} : memref<4x128xi32, #tpu.memory_space<vmem>>, vector<16xi32>,
    %get3A_51 = arith.constant 0 : i32
    %get3A_52 = arith.index_cast %get3A_51 : i32 to index
    %get3A_53 = arith.constant 16 : index
    %get3A_54 = tpu.vector_load %arg9[%get3A_52, %get3A_53] {strides = array<i32>} : memref<4x128xf32, #tpu.memory_space<vmem>>, vector<16xf32>,
    %mul3A_55 = arith.constant 100 : i32
    %mul3A_56 = vector.broadcast %mul3A_55 : i32 to vector<16xi32>
    %mul3A_57 = arith.muli %get3A_50, %mul3A_56 : vector<16xi32>
    %add3A_58 = arith.addi %mul3A_57, %get3A_46 : vector<16xi32>
    %gather3A_59 = tpu.vector_load_idx %arg10[%add3A_58] : memref<10000xf32, #tpu.memory_space<vmem>>[vector<16xi32>], vector<16xf32>,
    %mul3A_60 = arith.mulf %gather3A_59, %get3A_54 : vector<16xf32>
    %add3A_61 = arith.addf %add3A_42, %mul3A_60 : vector<16xf32>
    %get3A_62 = arith.constant 0 : i32
    %get3A_63 = arith.index_cast %get3A_62 : i32 to index
    %get3A_64 = arith.constant 32 : index
    %get3A_65 = tpu.vector_load %arg7[%get3A_63, %get3A_64] {strides = array<i32>} : memref<4x128xi32, #tpu.memory_space<vmem>>, vector<16xi32>,
    %get3A_66 = arith.constant 0 : i32
    %get3A_67 = arith.index_cast %get3A_66 : i32 to index
    %get3A_68 = arith.constant 32 : index
    %get3A_69 = tpu.vector_load %arg8[%get3A_67, %get3A_68] {strides = array<i32>} : memref<4x128xi32, #tpu.memory_space<vmem>>, vector<16xi32>,
    %get3A_70 = arith.constant 0 : i32
    %get3A_71 = arith.index_cast %get3A_70 : i32 to index
    %get3A_72 = arith.constant 32 : index
    %get3A_73 = tpu.vector_load %arg9[%get3A_71, %get3A_72] {strides = array<i32>} : memref<4x128xf32, #tpu.memory_space<vmem>>, vector<16xf32>,
    %mul3A_74 = arith.constant 100 : i32
    %mul3A_75 = vector.broadcast %mul3A_74 : i32 to vector<16xi32>
    %mul3A_76 = arith.muli %get3A_69, %mul3A_75 : vector<16xi32>
    %add3A_77 = arith.addi %mul3A_76, %get3A_65 : vector<16xi32>
    %gather3A_78 = tpu.vector_load_idx %arg10[%add3A_77] : memref<10000xf32, #tpu.memory_space<vmem>>[vector<16xi32>], vector<16xf32>,
    %mul3A_79 = arith.mulf %gather3A_78, %get3A_73 : vector<16xf32>
    %add3A_80 = arith.addf %add3A_61, %mul3A_79 : vector<16xf32>
    %get3A_81 = arith.constant 0 : i32
    %get3A_82 = arith.index_cast %get3A_81 : i32 to index
    %get3A_83 = arith.constant 48 : index
    %get3A_84 = tpu.vector_load %arg7[%get3A_82, %get3A_83] {strides = array<i32>} : memref<4x128xi32, #tpu.memory_space<vmem>>, vector<16xi32>,
    %get3A_85 = arith.constant 0 : i32
    %get3A_86 = arith.index_cast %get3A_85 : i32 to index
    %get3A_87 = arith.constant 48 : index
    %get3A_88 = tpu.vector_load %arg8[%get3A_86, %get3A_87] {strides = array<i32>} : memref<4x128xi32, #tpu.memory_space<vmem>>, vector<16xi32>,
    %get3A_89 = arith.constant 0 : i32
    %get3A_90 = arith.index_cast %get3A_89 : i32 to index
    %get3A_91 = arith.constant 48 : index
    %get3A_92 = tpu.vector_load %arg9[%get3A_90, %get3A_91] {strides = array<i32>} : memref<4x128xf32, #tpu.memory_space<vmem>>, vector<16xf32>,
    %mul3A_93 = arith.constant 100 : i32
    %mul3A_94 = vector.broadcast %mul3A_93 : i32 to vector<16xi32>
    %mul3A_95 = arith.muli %get3A_88, %mul3A_94 : vector<16xi32>
    %add3A_96 = arith.addi %mul3A_95, %get3A_84 : vector<16xi32>
    %gather3A_97 = tpu.vector_load_idx %arg10[%add3A_96] : memref<10000xf32, #tpu.memory_space<vmem>>[vector<16xi32>], vector<16xf32>,
    %mul3A_98 = arith.mulf %gather3A_97, %get3A_92 : vector<16xf32>
    %add3A_99 = arith.addf %add3A_80, %mul3A_98 : vector<16xf32>
    %get3A_100 = arith.constant 0 : i32
    %get3A_101 = arith.index_cast %get3A_100 : i32 to index
    %get3A_102 = arith.constant 64 : index
    %get3A_103 = tpu.vector_load %arg7[%get3A_101, %get3A_102] {strides = array<i32>} : memref<4x128xi32, #tpu.memory_space<vmem>>, vector<16xi32>,
    %get3A_104 = arith.constant 0 : i32
    %get3A_105 = arith.index_cast %get3A_104 : i32 to index
    %get3A_106 = arith.constant 64 : index
    %get3A_107 = tpu.vector_load %arg8[%get3A_105, %get3A_106] {strides = array<i32>} : memref<4x128xi32, #tpu.memory_space<vmem>>, vector<16xi32>,
    %get3A_108 = arith.constant 0 : i32
    %get3A_109 = arith.index_cast %get3A_108 : i32 to index
    %get3A_110 = arith.constant 64 : index
    %get3A_111 = tpu.vector_load %arg9[%get3A_109, %get3A_110] {strides = array<i32>} : memref<4x128xf32, #tpu.memory_space<vmem>>, vector<16xf32>,
    %mul3A_112 = arith.constant 100 : i32
    %mul3A_113 = vector.broadcast %mul3A_112 : i32 to vector<16xi32>
    %mul3A_114 = arith.muli %get3A_107, %mul3A_113 : vector<16xi32>
    %add3A_115 = arith.addi %mul3A_114, %get3A_103 : vector<16xi32>
    %gather3A_116 = tpu.vector_load_idx %arg10[%add3A_115] : memref<10000xf32, #tpu.memory_space<vmem>>[vector<16xi32>], vector<16xf32>,
    %mul3A_117 = arith.mulf %gather3A_116, %get3A_111 : vector<16xf32>
    %add3A_118 = arith.addf %add3A_99, %mul3A_117 : vector<16xf32>
    %get3A_119 = arith.constant 0 : i32
    %get3A_120 = arith.index_cast %get3A_119 : i32 to index
    %get3A_121 = arith.constant 80 : index
    %get3A_122 = tpu.vector_load %arg7[%get3A_120, %get3A_121] {strides = array<i32>} : memref<4x128xi32, #tpu.memory_space<vmem>>, vector<16xi32>,
    %get3A_123 = arith.constant 0 : i32
    %get3A_124 = arith.index_cast %get3A_123 : i32 to index
    %get3A_125 = arith.constant 80 : index
    %get3A_126 = tpu.vector_load %arg8[%get3A_124, %get3A_125] {strides = array<i32>} : memref<4x128xi32, #tpu.memory_space<vmem>>, vector<16xi32>,
    %get3A_127 = arith.constant 0 : i32
    %get3A_128 = arith.index_cast %get3A_127 : i32 to index
    %get3A_129 = arith.constant 80 : index
    %get3A_130 = tpu.vector_load %arg9[%get3A_128, %get3A_129] {strides = array<i32>} : memref<4x128xf32, #tpu.memory_space<vmem>>, vector<16xf32>,
    %mul3A_131 = arith.constant 100 : i32
    %mul3A_132 = vector.broadcast %mul3A_131 : i32 to vector<16xi32>
    %mul3A_133 = arith.muli %get3A_126, %mul3A_132 : vector<16xi32>
    %add3A_134 = arith.addi %mul3A_133, %get3A_122 : vector<16xi32>
    %gather3A_135 = tpu.vector_load_idx %arg10[%add3A_134] : memref<10000xf32, #tpu.memory_space<vmem>>[vector<16xi32>], vector<16xf32>,
    %mul3A_136 = arith.mulf %gather3A_135, %get3A_130 : vector<16xf32>
    %add3A_137 = arith.addf %add3A_118, %mul3A_136 : vector<16xf32>
    %get3A_138 = arith.constant 0 : i32
    %get3A_139 = arith.index_cast %get3A_138 : i32 to index
    %get3A_140 = arith.constant 96 : index
    %get3A_141 = tpu.vector_load %arg7[%get3A_139, %get3A_140] {strides = array<i32>} : memref<4x128xi32, #tpu.memory_space<vmem>>, vector<16xi32>,
    %get3A_142 = arith.constant 0 : i32
    %get3A_143 = arith.index_cast %get3A_142 : i32 to index
    %get3A_144 = arith.constant 96 : index
    %get3A_145 = tpu.vector_load %arg8[%get3A_143, %get3A_144] {strides = array<i32>} : memref<4x128xi32, #tpu.memory_space<vmem>>, vector<16xi32>,
    %get3A_146 = arith.constant 0 : i32
    %get3A_147 = arith.index_cast %get3A_146 : i32 to index
    %get3A_148 = arith.constant 96 : index
    %get3A_149 = tpu.vector_load %arg9[%get3A_147, %get3A_148] {strides = array<i32>} : memref<4x128xf32, #tpu.memory_space<vmem>>, vector<16xf32>,
    %mul3A_150 = arith.constant 100 : i32
    %mul3A_151 = vector.broadcast %mul3A_150 : i32 to vector<16xi32>
    %mul3A_152 = arith.muli %get3A_145, %mul3A_151 : vector<16xi32>
    %add3A_153 = arith.addi %mul3A_152, %get3A_141 : vector<16xi32>
    %gather3A_154 = tpu.vector_load_idx %arg10[%add3A_153] : memref<10000xf32, #tpu.memory_space<vmem>>[vector<16xi32>], vector<16xf32>,
    %mul3A_155 = arith.mulf %gather3A_154, %get3A_149 : vector<16xf32>
    %add3A_156 = arith.addf %add3A_137, %mul3A_155 : vector<16xf32>
    %get3A_157 = arith.constant 0 : i32
    %get3A_158 = arith.index_cast %get3A_157 : i32 to index
    %get3A_159 = arith.constant 112 : index
    %get3A_160 = tpu.vector_load %arg7[%get3A_158, %get3A_159] {strides = array<i32>} : memref<4x128xi32, #tpu.memory_space<vmem>>, vector<16xi32>,
    %get3A_161 = arith.constant 0 : i32
    %get3A_162 = arith.index_cast %get3A_161 : i32 to index
    %get3A_163 = arith.constant 112 : index
    %get3A_164 = tpu.vector_load %arg8[%get3A_162, %get3A_163] {strides = array<i32>} : memref<4x128xi32, #tpu.memory_space<vmem>>, vector<16xi32>,
    %get3A_165 = arith.constant 0 : i32
    %get3A_166 = arith.index_cast %get3A_165 : i32 to index
    %get3A_167 = arith.constant 112 : index
    %get3A_168 = tpu.vector_load %arg9[%get3A_166, %get3A_167] {strides = array<i32>} : memref<4x128xf32, #tpu.memory_space<vmem>>, vector<16xf32>,
    %mul3A_169 = arith.constant 100 : i32
    %mul3A_170 = vector.broadcast %mul3A_169 : i32 to vector<16xi32>
    %mul3A_171 = arith.muli %get3A_164, %mul3A_170 : vector<16xi32>
    %add3A_172 = arith.addi %mul3A_171, %get3A_160 : vector<16xi32>
    %gather3A_173 = tpu.vector_load_idx %arg10[%add3A_172] : memref<10000xf32, #tpu.memory_space<vmem>>[vector<16xi32>], vector<16xf32>,
    %mul3A_174 = arith.mulf %gather3A_173, %get3A_168 : vector<16xf32>
    %add3A_175 = arith.addf %add3A_156, %mul3A_174 : vector<16xf32>
    %get3A_176 = arith.constant 1 : i32
    %get3A_177 = arith.index_cast %get3A_176 : i32 to index
    %get3A_178 = arith.constant 0 : index
    %get3A_179 = tpu.vector_load %arg7[%get3A_177, %get3A_178] {strides = array<i32>} : memref<4x128xi32, #tpu.memory_space<vmem>>, vector<16xi32>,
    %get3A_180 = arith.constant 1 : i32
    %get3A_181 = arith.index_cast %get3A_180 : i32 to index
    %get3A_182 = arith.constant 0 : index
    %get3A_183 = tpu.vector_load %arg8[%get3A_181, %get3A_182] {strides = array<i32>} : memref<4x128xi32, #tpu.memory_space<vmem>>, vector<16xi32>,
    %get3A_184 = arith.constant 1 : i32
    %get3A_185 = arith.index_cast %get3A_184 : i32 to index
    %get3A_186 = arith.constant 0 : index
    %get3A_187 = tpu.vector_load %arg9[%get3A_185, %get3A_186] {strides = array<i32>} : memref<4x128xf32, #tpu.memory_space<vmem>>, vector<16xf32>,
    %mul3A_188 = arith.constant 100 : i32
    %mul3A_189 = vector.broadcast %mul3A_188 : i32 to vector<16xi32>
    %mul3A_190 = arith.muli %get3A_183, %mul3A_189 : vector<16xi32>
    %add3A_191 = arith.addi %mul3A_190, %get3A_179 : vector<16xi32>
    %gather3A_192 = tpu.vector_load_idx %arg10[%add3A_191] : memref<10000xf32, #tpu.memory_space<vmem>>[vector<16xi32>], vector<16xf32>,
    %mul3A_193 = arith.mulf %gather3A_192, %get3A_187 : vector<16xf32>
    %add3A_194 = arith.addf %add3A_175, %mul3A_193 : vector<16xf32>
    %get3A_195 = arith.constant 1 : i32
    %get3A_196 = arith.index_cast %get3A_195 : i32 to index
    %get3A_197 = arith.constant 16 : index
    %get3A_198 = tpu.vector_load %arg7[%get3A_196, %get3A_197] {strides = array<i32>} : memref<4x128xi32, #tpu.memory_space<vmem>>, vector<16xi32>,
    %get3A_199 = arith.constant 1 : i32
    %get3A_200 = arith.index_cast %get3A_199 : i32 to index
    %get3A_201 = arith.constant 16 : index
    %get3A_202 = tpu.vector_load %arg8[%get3A_200, %get3A_201] {strides = array<i32>} : memref<4x128xi32, #tpu.memory_space<vmem>>, vector<16xi32>,
    %get3A_203 = arith.constant 1 : i32
    %get3A_204 = arith.index_cast %get3A_203 : i32 to index
    %get3A_205 = arith.constant 16 : index
    %get3A_206 = tpu.vector_load %arg9[%get3A_204, %get3A_205] {strides = array<i32>} : memref<4x128xf32, #tpu.memory_space<vmem>>, vector<16xf32>,
    %mul3A_207 = arith.constant 100 : i32
    %mul3A_208 = vector.broadcast %mul3A_207 : i32 to vector<16xi32>
    %mul3A_209 = arith.muli %get3A_202, %mul3A_208 : vector<16xi32>
    %add3A_210 = arith.addi %mul3A_209, %get3A_198 : vector<16xi32>
    %gather3A_211 = tpu.vector_load_idx %arg10[%add3A_210] : memref<10000xf32, #tpu.memory_space<vmem>>[vector<16xi32>], vector<16xf32>,
    %mul3A_212 = arith.mulf %gather3A_211, %get3A_206 : vector<16xf32>
    %add3A_213 = arith.addf %add3A_194, %mul3A_212 : vector<16xf32>
    %get3A_214 = arith.constant 1 : i32
    %get3A_215 = arith.index_cast %get3A_214 : i32 to index
    %get3A_216 = arith.constant 32 : index
    %get3A_217 = tpu.vector_load %arg7[%get3A_215, %get3A_216] {strides = array<i32>} : memref<4x128xi32, #tpu.memory_space<vmem>>, vector<16xi32>,
    %get3A_218 = arith.constant 1 : i32
    %get3A_219 = arith.index_cast %get3A_218 : i32 to index
    %get3A_220 = arith.constant 32 : index
    %get3A_221 = tpu.vector_load %arg8[%get3A_219, %get3A_220] {strides = array<i32>} : memref<4x128xi32, #tpu.memory_space<vmem>>, vector<16xi32>,
    %get3A_222 = arith.constant 1 : i32
    %get3A_223 = arith.index_cast %get3A_222 : i32 to index
    %get3A_224 = arith.constant 32 : index
    %get3A_225 = tpu.vector_load %arg9[%get3A_223, %get3A_224] {strides = array<i32>} : memref<4x128xf32, #tpu.memory_space<vmem>>, vector<16xf32>,
    %mul3A_226 = arith.constant 100 : i32
    %mul3A_227 = vector.broadcast %mul3A_226 : i32 to vector<16xi32>
    %mul3A_228 = arith.muli %get3A_221, %mul3A_227 : vector<16xi32>
    %add3A_229 = arith.addi %mul3A_228, %get3A_217 : vector<16xi32>
    %gather3A_230 = tpu.vector_load_idx %arg10[%add3A_229] : memref<10000xf32, #tpu.memory_space<vmem>>[vector<16xi32>], vector<16xf32>,
    %mul3A_231 = arith.mulf %gather3A_230, %get3A_225 : vector<16xf32>
    %add3A_232 = arith.addf %add3A_213, %mul3A_231 : vector<16xf32>
    %get3A_233 = arith.constant 1 : i32
    %get3A_234 = arith.index_cast %get3A_233 : i32 to index
    %get3A_235 = arith.constant 48 : index
    %get3A_236 = tpu.vector_load %arg7[%get3A_234, %get3A_235] {strides = array<i32>} : memref<4x128xi32, #tpu.memory_space<vmem>>, vector<16xi32>,
    %get3A_237 = arith.constant 1 : i32
    %get3A_238 = arith.index_cast %get3A_237 : i32 to index
    %get3A_239 = arith.constant 48 : index
    %get3A_240 = tpu.vector_load %arg8[%get3A_238, %get3A_239] {strides = array<i32>} : memref<4x128xi32, #tpu.memory_space<vmem>>, vector<16xi32>,
    %get3A_241 = arith.constant 1 : i32
    %get3A_242 = arith.index_cast %get3A_241 : i32 to index
    %get3A_243 = arith.constant 48 : index
    %get3A_244 = tpu.vector_load %arg9[%get3A_242, %get3A_243] {strides = array<i32>} : memref<4x128xf32, #tpu.memory_space<vmem>>, vector<16xf32>,
    %mul3A_245 = arith.constant 100 : i32
    %mul3A_246 = vector.broadcast %mul3A_245 : i32 to vector<16xi32>
    %mul3A_247 = arith.muli %get3A_240, %mul3A_246 : vector<16xi32>
    %add3A_248 = arith.addi %mul3A_247, %get3A_236 : vector<16xi32>
    %gather3A_249 = tpu.vector_load_idx %arg10[%add3A_248] : memref<10000xf32, #tpu.memory_space<vmem>>[vector<16xi32>], vector<16xf32>,
    %mul3A_250 = arith.mulf %gather3A_249, %get3A_244 : vector<16xf32>
    %add3A_251 = arith.addf %add3A_232, %mul3A_250 : vector<16xf32>
    %get3A_252 = arith.constant 1 : i32
    %get3A_253 = arith.index_cast %get3A_252 : i32 to index
    %get3A_254 = arith.constant 64 : index
    %get3A_255 = tpu.vector_load %arg7[%get3A_253, %get3A_254] {strides = array<i32>} : memref<4x128xi32, #tpu.memory_space<vmem>>, vector<16xi32>,
    %get3A_256 = arith.constant 1 : i32
    %get3A_257 = arith.index_cast %get3A_256 : i32 to index
    %get3A_258 = arith.constant 64 : index
    %get3A_259 = tpu.vector_load %arg8[%get3A_257, %get3A_258] {strides = array<i32>} : memref<4x128xi32, #tpu.memory_space<vmem>>, vector<16xi32>,
    %get3A_260 = arith.constant 1 : i32
    %get3A_261 = arith.index_cast %get3A_260 : i32 to index
    %get3A_262 = arith.constant 64 : index
    %get3A_263 = tpu.vector_load %arg9[%get3A_261, %get3A_262] {strides = array<i32>} : memref<4x128xf32, #tpu.memory_space<vmem>>, vector<16xf32>,
    %mul3A_264 = arith.constant 100 : i32
    %mul3A_265 = vector.broadcast %mul3A_264 : i32 to vector<16xi32>
    %mul3A_266 = arith.muli %get3A_259, %mul3A_265 : vector<16xi32>
    %add3A_267 = arith.addi %mul3A_266, %get3A_255 : vector<16xi32>
    %gather3A_268 = tpu.vector_load_idx %arg10[%add3A_267] : memref<10000xf32, #tpu.memory_space<vmem>>[vector<16xi32>], vector<16xf32>,
    %mul3A_269 = arith.mulf %gather3A_268, %get3A_263 : vector<16xf32>
    %add3A_270 = arith.addf %add3A_251, %mul3A_269 : vector<16xf32>
    %get3A_271 = arith.constant 1 : i32
    %get3A_272 = arith.index_cast %get3A_271 : i32 to index
    %get3A_273 = arith.constant 80 : index
    %get3A_274 = tpu.vector_load %arg7[%get3A_272, %get3A_273] {strides = array<i32>} : memref<4x128xi32, #tpu.memory_space<vmem>>, vector<16xi32>,
    %get3A_275 = arith.constant 1 : i32
    %get3A_276 = arith.index_cast %get3A_275 : i32 to index
    %get3A_277 = arith.constant 80 : index
    %get3A_278 = tpu.vector_load %arg8[%get3A_276, %get3A_277] {strides = array<i32>} : memref<4x128xi32, #tpu.memory_space<vmem>>, vector<16xi32>,
    %get3A_279 = arith.constant 1 : i32
    %get3A_280 = arith.index_cast %get3A_279 : i32 to index
    %get3A_281 = arith.constant 80 : index
    %get3A_282 = tpu.vector_load %arg9[%get3A_280, %get3A_281] {strides = array<i32>} : memref<4x128xf32, #tpu.memory_space<vmem>>, vector<16xf32>,
    %mul3A_283 = arith.constant 100 : i32
    %mul3A_284 = vector.broadcast %mul3A_283 : i32 to vector<16xi32>
    %mul3A_285 = arith.muli %get3A_278, %mul3A_284 : vector<16xi32>
    %add3A_286 = arith.addi %mul3A_285, %get3A_274 : vector<16xi32>
    %gather3A_287 = tpu.vector_load_idx %arg10[%add3A_286] : memref<10000xf32, #tpu.memory_space<vmem>>[vector<16xi32>], vector<16xf32>,
    %mul3A_288 = arith.mulf %gather3A_287, %get3A_282 : vector<16xf32>
    %add3A_289 = arith.addf %add3A_270, %mul3A_288 : vector<16xf32>
    %get3A_290 = arith.constant 1 : i32
    %get3A_291 = arith.index_cast %get3A_290 : i32 to index
    %get3A_292 = arith.constant 96 : index
    %get3A_293 = tpu.vector_load %arg7[%get3A_291, %get3A_292] {strides = array<i32>} : memref<4x128xi32, #tpu.memory_space<vmem>>, vector<16xi32>,
    %get3A_294 = arith.constant 1 : i32
    %get3A_295 = arith.index_cast %get3A_294 : i32 to index
    %get3A_296 = arith.constant 96 : index
    %get3A_297 = tpu.vector_load %arg8[%get3A_295, %get3A_296] {strides = array<i32>} : memref<4x128xi32, #tpu.memory_space<vmem>>, vector<16xi32>,
    %get3A_298 = arith.constant 1 : i32
    %get3A_299 = arith.index_cast %get3A_298 : i32 to index
    %get3A_300 = arith.constant 96 : index
    %get3A_301 = tpu.vector_load %arg9[%get3A_299, %get3A_300] {strides = array<i32>} : memref<4x128xf32, #tpu.memory_space<vmem>>, vector<16xf32>,
    %mul3A_302 = arith.constant 100 : i32
    %mul3A_303 = vector.broadcast %mul3A_302 : i32 to vector<16xi32>
    %mul3A_304 = arith.muli %get3A_297, %mul3A_303 : vector<16xi32>
    %add3A_305 = arith.addi %mul3A_304, %get3A_293 : vector<16xi32>
    %gather3A_306 = tpu.vector_load_idx %arg10[%add3A_305] : memref<10000xf32, #tpu.memory_space<vmem>>[vector<16xi32>], vector<16xf32>,
    %mul3A_307 = arith.mulf %gather3A_306, %get3A_301 : vector<16xf32>
    %add3A_308 = arith.addf %add3A_289, %mul3A_307 : vector<16xf32>
    %get3A_309 = arith.constant 1 : i32
    %get3A_310 = arith.index_cast %get3A_309 : i32 to index
    %get3A_311 = arith.constant 112 : index
    %get3A_312 = tpu.vector_load %arg7[%get3A_310, %get3A_311] {strides = array<i32>} : memref<4x128xi32, #tpu.memory_space<vmem>>, vector<16xi32>,
    %get3A_313 = arith.constant 1 : i32
    %get3A_314 = arith.index_cast %get3A_313 : i32 to index
    %get3A_315 = arith.constant 112 : index
    %get3A_316 = tpu.vector_load %arg8[%get3A_314, %get3A_315] {strides = array<i32>} : memref<4x128xi32, #tpu.memory_space<vmem>>, vector<16xi32>,
    %get3A_317 = arith.constant 1 : i32
    %get3A_318 = arith.index_cast %get3A_317 : i32 to index
    %get3A_319 = arith.constant 112 : index
    %get3A_320 = tpu.vector_load %arg9[%get3A_318, %get3A_319] {strides = array<i32>} : memref<4x128xf32, #tpu.memory_space<vmem>>, vector<16xf32>,
    %mul3A_321 = arith.constant 100 : i32
    %mul3A_322 = vector.broadcast %mul3A_321 : i32 to vector<16xi32>
    %mul3A_323 = arith.muli %get3A_316, %mul3A_322 : vector<16xi32>
    %add3A_324 = arith.addi %mul3A_323, %get3A_312 : vector<16xi32>
    %gather3A_325 = tpu.vector_load_idx %arg10[%add3A_324] : memref<10000xf32, #tpu.memory_space<vmem>>[vector<16xi32>], vector<16xf32>,
    %mul3A_326 = arith.mulf %gather3A_325, %get3A_320 : vector<16xf32>
    %add3A_327 = arith.addf %add3A_308, %mul3A_326 : vector<16xf32>
    %get3A_328 = arith.constant 2 : i32
    %get3A_329 = arith.index_cast %get3A_328 : i32 to index
    %get3A_330 = arith.constant 0 : index
    %get3A_331 = tpu.vector_load %arg7[%get3A_329, %get3A_330] {strides = array<i32>} : memref<4x128xi32, #tpu.memory_space<vmem>>, vector<16xi32>,
    %get3A_332 = arith.constant 2 : i32
    %get3A_333 = arith.index_cast %get3A_332 : i32 to index
    %get3A_334 = arith.constant 0 : index
    %get3A_335 = tpu.vector_load %arg8[%get3A_333, %get3A_334] {strides = array<i32>} : memref<4x128xi32, #tpu.memory_space<vmem>>, vector<16xi32>,
    %get3A_336 = arith.constant 2 : i32
    %get3A_337 = arith.index_cast %get3A_336 : i32 to index
    %get3A_338 = arith.constant 0 : index
    %get3A_339 = tpu.vector_load %arg9[%get3A_337, %get3A_338] {strides = array<i32>} : memref<4x128xf32, #tpu.memory_space<vmem>>, vector<16xf32>,
    %mul3A_340 = arith.constant 100 : i32
    %mul3A_341 = vector.broadcast %mul3A_340 : i32 to vector<16xi32>
    %mul3A_342 = arith.muli %get3A_335, %mul3A_341 : vector<16xi32>
    %add3A_343 = arith.addi %mul3A_342, %get3A_331 : vector<16xi32>
    %gather3A_344 = tpu.vector_load_idx %arg10[%add3A_343] : memref<10000xf32, #tpu.memory_space<vmem>>[vector<16xi32>], vector<16xf32>,
    %mul3A_345 = arith.mulf %gather3A_344, %get3A_339 : vector<16xf32>
    %add3A_346 = arith.addf %add3A_327, %mul3A_345 : vector<16xf32>
    %get3A_347 = arith.constant 2 : i32
    %get3A_348 = arith.index_cast %get3A_347 : i32 to index
    %get3A_349 = arith.constant 16 : index
    %get3A_350 = tpu.vector_load %arg7[%get3A_348, %get3A_349] {strides = array<i32>} : memref<4x128xi32, #tpu.memory_space<vmem>>, vector<16xi32>,
    %get3A_351 = arith.constant 2 : i32
    %get3A_352 = arith.index_cast %get3A_351 : i32 to index
    %get3A_353 = arith.constant 16 : index
    %get3A_354 = tpu.vector_load %arg8[%get3A_352, %get3A_353] {strides = array<i32>} : memref<4x128xi32, #tpu.memory_space<vmem>>, vector<16xi32>,
    %get3A_355 = arith.constant 2 : i32
    %get3A_356 = arith.index_cast %get3A_355 : i32 to index
    %get3A_357 = arith.constant 16 : index
    %get3A_358 = tpu.vector_load %arg9[%get3A_356, %get3A_357] {strides = array<i32>} : memref<4x128xf32, #tpu.memory_space<vmem>>, vector<16xf32>,
    %mul3A_359 = arith.constant 100 : i32
    %mul3A_360 = vector.broadcast %mul3A_359 : i32 to vector<16xi32>
    %mul3A_361 = arith.muli %get3A_354, %mul3A_360 : vector<16xi32>
    %add3A_362 = arith.addi %mul3A_361, %get3A_350 : vector<16xi32>
    %gather3A_363 = tpu.vector_load_idx %arg10[%add3A_362] : memref<10000xf32, #tpu.memory_space<vmem>>[vector<16xi32>], vector<16xf32>,
    %mul3A_364 = arith.mulf %gather3A_363, %get3A_358 : vector<16xf32>
    %add3A_365 = arith.addf %add3A_346, %mul3A_364 : vector<16xf32>
    %get3A_366 = arith.constant 2 : i32
    %get3A_367 = arith.index_cast %get3A_366 : i32 to index
    %get3A_368 = arith.constant 32 : index
    %get3A_369 = tpu.vector_load %arg7[%get3A_367, %get3A_368] {strides = array<i32>} : memref<4x128xi32, #tpu.memory_space<vmem>>, vector<16xi32>,
    %get3A_370 = arith.constant 2 : i32
    %get3A_371 = arith.index_cast %get3A_370 : i32 to index
    %get3A_372 = arith.constant 32 : index
    %get3A_373 = tpu.vector_load %arg8[%get3A_371, %get3A_372] {strides = array<i32>} : memref<4x128xi32, #tpu.memory_space<vmem>>, vector<16xi32>,
    %get3A_374 = arith.constant 2 : i32
    %get3A_375 = arith.index_cast %get3A_374 : i32 to index
    %get3A_376 = arith.constant 32 : index
    %get3A_377 = tpu.vector_load %arg9[%get3A_375, %get3A_376] {strides = array<i32>} : memref<4x128xf32, #tpu.memory_space<vmem>>, vector<16xf32>,
    %mul3A_378 = arith.constant 100 : i32
    %mul3A_379 = vector.broadcast %mul3A_378 : i32 to vector<16xi32>
    %mul3A_380 = arith.muli %get3A_373, %mul3A_379 : vector<16xi32>
    %add3A_381 = arith.addi %mul3A_380, %get3A_369 : vector<16xi32>
    %gather3A_382 = tpu.vector_load_idx %arg10[%add3A_381] : memref<10000xf32, #tpu.memory_space<vmem>>[vector<16xi32>], vector<16xf32>,
    %mul3A_383 = arith.mulf %gather3A_382, %get3A_377 : vector<16xf32>
    %add3A_384 = arith.addf %add3A_365, %mul3A_383 : vector<16xf32>
    %get3A_385 = arith.constant 2 : i32
    %get3A_386 = arith.index_cast %get3A_385 : i32 to index
    %get3A_387 = arith.constant 48 : index
    %get3A_388 = tpu.vector_load %arg7[%get3A_386, %get3A_387] {strides = array<i32>} : memref<4x128xi32, #tpu.memory_space<vmem>>, vector<16xi32>,
    %get3A_389 = arith.constant 2 : i32
    %get3A_390 = arith.index_cast %get3A_389 : i32 to index
    %get3A_391 = arith.constant 48 : index
    %get3A_392 = tpu.vector_load %arg8[%get3A_390, %get3A_391] {strides = array<i32>} : memref<4x128xi32, #tpu.memory_space<vmem>>, vector<16xi32>,
    %get3A_393 = arith.constant 2 : i32
    %get3A_394 = arith.index_cast %get3A_393 : i32 to index
    %get3A_395 = arith.constant 48 : index
    %get3A_396 = tpu.vector_load %arg9[%get3A_394, %get3A_395] {strides = array<i32>} : memref<4x128xf32, #tpu.memory_space<vmem>>, vector<16xf32>,
    %mul3A_397 = arith.constant 100 : i32
    %mul3A_398 = vector.broadcast %mul3A_397 : i32 to vector<16xi32>
    %mul3A_399 = arith.muli %get3A_392, %mul3A_398 : vector<16xi32>
    %add3A_400 = arith.addi %mul3A_399, %get3A_388 : vector<16xi32>
    %gather3A_401 = tpu.vector_load_idx %arg10[%add3A_400] : memref<10000xf32, #tpu.memory_space<vmem>>[vector<16xi32>], vector<16xf32>,
    %mul3A_402 = arith.mulf %gather3A_401, %get3A_396 : vector<16xf32>
    %add3A_403 = arith.addf %add3A_384, %mul3A_402 : vector<16xf32>
    %get3A_404 = arith.constant 2 : i32
    %get3A_405 = arith.index_cast %get3A_404 : i32 to index
    %get3A_406 = arith.constant 64 : index
    %get3A_407 = tpu.vector_load %arg7[%get3A_405, %get3A_406] {strides = array<i32>} : memref<4x128xi32, #tpu.memory_space<vmem>>, vector<16xi32>,
    %get3A_408 = arith.constant 2 : i32
    %get3A_409 = arith.index_cast %get3A_408 : i32 to index
    %get3A_410 = arith.constant 64 : index
    %get3A_411 = tpu.vector_load %arg8[%get3A_409, %get3A_410] {strides = array<i32>} : memref<4x128xi32, #tpu.memory_space<vmem>>, vector<16xi32>,
    %get3A_412 = arith.constant 2 : i32
    %get3A_413 = arith.index_cast %get3A_412 : i32 to index
    %get3A_414 = arith.constant 64 : index
    %get3A_415 = tpu.vector_load %arg9[%get3A_413, %get3A_414] {strides = array<i32>} : memref<4x128xf32, #tpu.memory_space<vmem>>, vector<16xf32>,
    %mul3A_416 = arith.constant 100 : i32
    %mul3A_417 = vector.broadcast %mul3A_416 : i32 to vector<16xi32>
    %mul3A_418 = arith.muli %get3A_411, %mul3A_417 : vector<16xi32>
    %add3A_419 = arith.addi %mul3A_418, %get3A_407 : vector<16xi32>
    %gather3A_420 = tpu.vector_load_idx %arg10[%add3A_419] : memref<10000xf32, #tpu.memory_space<vmem>>[vector<16xi32>], vector<16xf32>,
    %mul3A_421 = arith.mulf %gather3A_420, %get3A_415 : vector<16xf32>
    %add3A_422 = arith.addf %add3A_403, %mul3A_421 : vector<16xf32>
    %get3A_423 = arith.constant 2 : i32
    %get3A_424 = arith.index_cast %get3A_423 : i32 to index
    %get3A_425 = arith.constant 80 : index
    %get3A_426 = tpu.vector_load %arg7[%get3A_424, %get3A_425] {strides = array<i32>} : memref<4x128xi32, #tpu.memory_space<vmem>>, vector<16xi32>,
    %get3A_427 = arith.constant 2 : i32
    %get3A_428 = arith.index_cast %get3A_427 : i32 to index
    %get3A_429 = arith.constant 80 : index
    %get3A_430 = tpu.vector_load %arg8[%get3A_428, %get3A_429] {strides = array<i32>} : memref<4x128xi32, #tpu.memory_space<vmem>>, vector<16xi32>,
    %get3A_431 = arith.constant 2 : i32
    %get3A_432 = arith.index_cast %get3A_431 : i32 to index
    %get3A_433 = arith.constant 80 : index
    %get3A_434 = tpu.vector_load %arg9[%get3A_432, %get3A_433] {strides = array<i32>} : memref<4x128xf32, #tpu.memory_space<vmem>>, vector<16xf32>,
    %mul3A_435 = arith.constant 100 : i32
    %mul3A_436 = vector.broadcast %mul3A_435 : i32 to vector<16xi32>
    %mul3A_437 = arith.muli %get3A_430, %mul3A_436 : vector<16xi32>
    %add3A_438 = arith.addi %mul3A_437, %get3A_426 : vector<16xi32>
    %gather3A_439 = tpu.vector_load_idx %arg10[%add3A_438] : memref<10000xf32, #tpu.memory_space<vmem>>[vector<16xi32>], vector<16xf32>,
    %mul3A_440 = arith.mulf %gather3A_439, %get3A_434 : vector<16xf32>
    %add3A_441 = arith.addf %add3A_422, %mul3A_440 : vector<16xf32>
    %get3A_442 = arith.constant 2 : i32
    %get3A_443 = arith.index_cast %get3A_442 : i32 to index
    %get3A_444 = arith.constant 96 : index
    %get3A_445 = tpu.vector_load %arg7[%get3A_443, %get3A_444] {strides = array<i32>} : memref<4x128xi32, #tpu.memory_space<vmem>>, vector<16xi32>,
    %get3A_446 = arith.constant 2 : i32
    %get3A_447 = arith.index_cast %get3A_446 : i32 to index
    %get3A_448 = arith.constant 96 : index
    %get3A_449 = tpu.vector_load %arg8[%get3A_447, %get3A_448] {strides = array<i32>} : memref<4x128xi32, #tpu.memory_space<vmem>>, vector<16xi32>,
    %get3A_450 = arith.constant 2 : i32
    %get3A_451 = arith.index_cast %get3A_450 : i32 to index
    %get3A_452 = arith.constant 96 : index
    %get3A_453 = tpu.vector_load %arg9[%get3A_451, %get3A_452] {strides = array<i32>} : memref<4x128xf32, #tpu.memory_space<vmem>>, vector<16xf32>,
    %mul3A_454 = arith.constant 100 : i32
    %mul3A_455 = vector.broadcast %mul3A_454 : i32 to vector<16xi32>
    %mul3A_456 = arith.muli %get3A_449, %mul3A_455 : vector<16xi32>
    %add3A_457 = arith.addi %mul3A_456, %get3A_445 : vector<16xi32>
    %gather3A_458 = tpu.vector_load_idx %arg10[%add3A_457] : memref<10000xf32, #tpu.memory_space<vmem>>[vector<16xi32>], vector<16xf32>,
    %mul3A_459 = arith.mulf %gather3A_458, %get3A_453 : vector<16xf32>
    %add3A_460 = arith.addf %add3A_441, %mul3A_459 : vector<16xf32>
    %get3A_461 = arith.constant 2 : i32
    %get3A_462 = arith.index_cast %get3A_461 : i32 to index
    %get3A_463 = arith.constant 112 : index
    %get3A_464 = tpu.vector_load %arg7[%get3A_462, %get3A_463] {strides = array<i32>} : memref<4x128xi32, #tpu.memory_space<vmem>>, vector<16xi32>,
    %get3A_465 = arith.constant 2 : i32
    %get3A_466 = arith.index_cast %get3A_465 : i32 to index
    %get3A_467 = arith.constant 112 : index
    %get3A_468 = tpu.vector_load %arg8[%get3A_466, %get3A_467] {strides = array<i32>} : memref<4x128xi32, #tpu.memory_space<vmem>>, vector<16xi32>,
    %get3A_469 = arith.constant 2 : i32
    %get3A_470 = arith.index_cast %get3A_469 : i32 to index
    %get3A_471 = arith.constant 112 : index
    %get3A_472 = tpu.vector_load %arg9[%get3A_470, %get3A_471] {strides = array<i32>} : memref<4x128xf32, #tpu.memory_space<vmem>>, vector<16xf32>,
    %mul3A_473 = arith.constant 100 : i32
    %mul3A_474 = vector.broadcast %mul3A_473 : i32 to vector<16xi32>
    %mul3A_475 = arith.muli %get3A_468, %mul3A_474 : vector<16xi32>
    %add3A_476 = arith.addi %mul3A_475, %get3A_464 : vector<16xi32>
    %gather3A_477 = tpu.vector_load_idx %arg10[%add3A_476] : memref<10000xf32, #tpu.memory_space<vmem>>[vector<16xi32>], vector<16xf32>,
    %mul3A_478 = arith.mulf %gather3A_477, %get3A_472 : vector<16xf32>
    %add3A_479 = arith.addf %add3A_460, %mul3A_478 : vector<16xf32>
    %get3A_480 = arith.constant 3 : i32
    %get3A_481 = arith.index_cast %get3A_480 : i32 to index
    %get3A_482 = arith.constant 0 : index
    %get3A_483 = tpu.vector_load %arg7[%get3A_481, %get3A_482] {strides = array<i32>} : memref<4x128xi32, #tpu.memory_space<vmem>>, vector<16xi32>,
    %get3A_484 = arith.constant 3 : i32
    %get3A_485 = arith.index_cast %get3A_484 : i32 to index
    %get3A_486 = arith.constant 0 : index
    %get3A_487 = tpu.vector_load %arg8[%get3A_485, %get3A_486] {strides = array<i32>} : memref<4x128xi32, #tpu.memory_space<vmem>>, vector<16xi32>,
    %get3A_488 = arith.constant 3 : i32
    %get3A_489 = arith.index_cast %get3A_488 : i32 to index
    %get3A_490 = arith.constant 0 : index
    %get3A_491 = tpu.vector_load %arg9[%get3A_489, %get3A_490] {strides = array<i32>} : memref<4x128xf32, #tpu.memory_space<vmem>>, vector<16xf32>,
    %mul3A_492 = arith.constant 100 : i32
    %mul3A_493 = vector.broadcast %mul3A_492 : i32 to vector<16xi32>
    %mul3A_494 = arith.muli %get3A_487, %mul3A_493 : vector<16xi32>
    %add3A_495 = arith.addi %mul3A_494, %get3A_483 : vector<16xi32>
    %gather3A_496 = tpu.vector_load_idx %arg10[%add3A_495] : memref<10000xf32, #tpu.memory_space<vmem>>[vector<16xi32>], vector<16xf32>,
    %mul3A_497 = arith.mulf %gather3A_496, %get3A_491 : vector<16xf32>
    %add3A_498 = arith.addf %add3A_479, %mul3A_497 : vector<16xf32>
    %get3A_499 = arith.constant 3 : i32
    %get3A_500 = arith.index_cast %get3A_499 : i32 to index
    %get3A_501 = arith.constant 16 : index
    %get3A_502 = tpu.vector_load %arg7[%get3A_500, %get3A_501] {strides = array<i32>} : memref<4x128xi32, #tpu.memory_space<vmem>>, vector<16xi32>,
    %get3A_503 = arith.constant 3 : i32
    %get3A_504 = arith.index_cast %get3A_503 : i32 to index
    %get3A_505 = arith.constant 16 : index
    %get3A_506 = tpu.vector_load %arg8[%get3A_504, %get3A_505] {strides = array<i32>} : memref<4x128xi32, #tpu.memory_space<vmem>>, vector<16xi32>,
    %get3A_507 = arith.constant 3 : i32
    %get3A_508 = arith.index_cast %get3A_507 : i32 to index
    %get3A_509 = arith.constant 16 : index
    %get3A_510 = tpu.vector_load %arg9[%get3A_508, %get3A_509] {strides = array<i32>} : memref<4x128xf32, #tpu.memory_space<vmem>>, vector<16xf32>,
    %mul3A_511 = arith.constant 100 : i32
    %mul3A_512 = vector.broadcast %mul3A_511 : i32 to vector<16xi32>
    %mul3A_513 = arith.muli %get3A_506, %mul3A_512 : vector<16xi32>
    %add3A_514 = arith.addi %mul3A_513, %get3A_502 : vector<16xi32>
    %gather3A_515 = tpu.vector_load_idx %arg10[%add3A_514] : memref<10000xf32, #tpu.memory_space<vmem>>[vector<16xi32>], vector<16xf32>,
    %mul3A_516 = arith.mulf %gather3A_515, %get3A_510 : vector<16xf32>
    %add3A_517 = arith.addf %add3A_498, %mul3A_516 : vector<16xf32>
    %get3A_518 = arith.constant 3 : i32
    %get3A_519 = arith.index_cast %get3A_518 : i32 to index
    %get3A_520 = arith.constant 32 : index
    %get3A_521 = tpu.vector_load %arg7[%get3A_519, %get3A_520] {strides = array<i32>} : memref<4x128xi32, #tpu.memory_space<vmem>>, vector<16xi32>,
    %get3A_522 = arith.constant 3 : i32
    %get3A_523 = arith.index_cast %get3A_522 : i32 to index
    %get3A_524 = arith.constant 32 : index
    %get3A_525 = tpu.vector_load %arg8[%get3A_523, %get3A_524] {strides = array<i32>} : memref<4x128xi32, #tpu.memory_space<vmem>>, vector<16xi32>,
    %get3A_526 = arith.constant 3 : i32
    %get3A_527 = arith.index_cast %get3A_526 : i32 to index
    %get3A_528 = arith.constant 32 : index
    %get3A_529 = tpu.vector_load %arg9[%get3A_527, %get3A_528] {strides = array<i32>} : memref<4x128xf32, #tpu.memory_space<vmem>>, vector<16xf32>,
    %mul3A_530 = arith.constant 100 : i32
    %mul3A_531 = vector.broadcast %mul3A_530 : i32 to vector<16xi32>
    %mul3A_532 = arith.muli %get3A_525, %mul3A_531 : vector<16xi32>
    %add3A_533 = arith.addi %mul3A_532, %get3A_521 : vector<16xi32>
    %gather3A_534 = tpu.vector_load_idx %arg10[%add3A_533] : memref<10000xf32, #tpu.memory_space<vmem>>[vector<16xi32>], vector<16xf32>,
    %mul3A_535 = arith.mulf %gather3A_534, %get3A_529 : vector<16xf32>
    %add3A_536 = arith.addf %add3A_517, %mul3A_535 : vector<16xf32>
    %get3A_537 = arith.constant 3 : i32
    %get3A_538 = arith.index_cast %get3A_537 : i32 to index
    %get3A_539 = arith.constant 48 : index
    %get3A_540 = tpu.vector_load %arg7[%get3A_538, %get3A_539] {strides = array<i32>} : memref<4x128xi32, #tpu.memory_space<vmem>>, vector<16xi32>,
    %get3A_541 = arith.constant 3 : i32
    %get3A_542 = arith.index_cast %get3A_541 : i32 to index
    %get3A_543 = arith.constant 48 : index
    %get3A_544 = tpu.vector_load %arg8[%get3A_542, %get3A_543] {strides = array<i32>} : memref<4x128xi32, #tpu.memory_space<vmem>>, vector<16xi32>,
    %get3A_545 = arith.constant 3 : i32
    %get3A_546 = arith.index_cast %get3A_545 : i32 to index
    %get3A_547 = arith.constant 48 : index
    %get3A_548 = tpu.vector_load %arg9[%get3A_546, %get3A_547] {strides = array<i32>} : memref<4x128xf32, #tpu.memory_space<vmem>>, vector<16xf32>,
    %mul3A_549 = arith.constant 100 : i32
    %mul3A_550 = vector.broadcast %mul3A_549 : i32 to vector<16xi32>
    %mul3A_551 = arith.muli %get3A_544, %mul3A_550 : vector<16xi32>
    %add3A_552 = arith.addi %mul3A_551, %get3A_540 : vector<16xi32>
    %gather3A_553 = tpu.vector_load_idx %arg10[%add3A_552] : memref<10000xf32, #tpu.memory_space<vmem>>[vector<16xi32>], vector<16xf32>,
    %mul3A_554 = arith.mulf %gather3A_553, %get3A_548 : vector<16xf32>
    %add3A_555 = arith.addf %add3A_536, %mul3A_554 : vector<16xf32>
    %get3A_556 = arith.constant 3 : i32
    %get3A_557 = arith.index_cast %get3A_556 : i32 to index
    %get3A_558 = arith.constant 64 : index
    %get3A_559 = tpu.vector_load %arg7[%get3A_557, %get3A_558] {strides = array<i32>} : memref<4x128xi32, #tpu.memory_space<vmem>>, vector<16xi32>,
    %get3A_560 = arith.constant 3 : i32
    %get3A_561 = arith.index_cast %get3A_560 : i32 to index
    %get3A_562 = arith.constant 64 : index
    %get3A_563 = tpu.vector_load %arg8[%get3A_561, %get3A_562] {strides = array<i32>} : memref<4x128xi32, #tpu.memory_space<vmem>>, vector<16xi32>,
    %get3A_564 = arith.constant 3 : i32
    %get3A_565 = arith.index_cast %get3A_564 : i32 to index
    %get3A_566 = arith.constant 64 : index
    %get3A_567 = tpu.vector_load %arg9[%get3A_565, %get3A_566] {strides = array<i32>} : memref<4x128xf32, #tpu.memory_space<vmem>>, vector<16xf32>,
    %mul3A_568 = arith.constant 100 : i32
    %mul3A_569 = vector.broadcast %mul3A_568 : i32 to vector<16xi32>
    %mul3A_570 = arith.muli %get3A_563, %mul3A_569 : vector<16xi32>
    %add3A_571 = arith.addi %mul3A_570, %get3A_559 : vector<16xi32>
    %gather3A_572 = tpu.vector_load_idx %arg10[%add3A_571] : memref<10000xf32, #tpu.memory_space<vmem>>[vector<16xi32>], vector<16xf32>,
    %mul3A_573 = arith.mulf %gather3A_572, %get3A_567 : vector<16xf32>
    %add3A_574 = arith.addf %add3A_555, %mul3A_573 : vector<16xf32>
    %get3A_575 = arith.constant 3 : i32
    %get3A_576 = arith.index_cast %get3A_575 : i32 to index
    %get3A_577 = arith.constant 80 : index
    %get3A_578 = tpu.vector_load %arg7[%get3A_576, %get3A_577] {strides = array<i32>} : memref<4x128xi32, #tpu.memory_space<vmem>>, vector<16xi32>,
    %get3A_579 = arith.constant 3 : i32
    %get3A_580 = arith.index_cast %get3A_579 : i32 to index
    %get3A_581 = arith.constant 80 : index
    %get3A_582 = tpu.vector_load %arg8[%get3A_580, %get3A_581] {strides = array<i32>} : memref<4x128xi32, #tpu.memory_space<vmem>>, vector<16xi32>,
    %get3A_583 = arith.constant 3 : i32
    %get3A_584 = arith.index_cast %get3A_583 : i32 to index
    %get3A_585 = arith.constant 80 : index
    %get3A_586 = tpu.vector_load %arg9[%get3A_584, %get3A_585] {strides = array<i32>} : memref<4x128xf32, #tpu.memory_space<vmem>>, vector<16xf32>,
    %mul3A_587 = arith.constant 100 : i32
    %mul3A_588 = vector.broadcast %mul3A_587 : i32 to vector<16xi32>
    %mul3A_589 = arith.muli %get3A_582, %mul3A_588 : vector<16xi32>
    %add3A_590 = arith.addi %mul3A_589, %get3A_578 : vector<16xi32>
    %gather3A_591 = tpu.vector_load_idx %arg10[%add3A_590] : memref<10000xf32, #tpu.memory_space<vmem>>[vector<16xi32>], vector<16xf32>,
    %mul3A_592 = arith.mulf %gather3A_591, %get3A_586 : vector<16xf32>
    %add3A_593 = arith.addf %add3A_574, %mul3A_592 : vector<16xf32>
    %get3A_594 = arith.constant 3 : i32
    %get3A_595 = arith.index_cast %get3A_594 : i32 to index
    %get3A_596 = arith.constant 96 : index
    %get3A_597 = tpu.vector_load %arg7[%get3A_595, %get3A_596] {strides = array<i32>} : memref<4x128xi32, #tpu.memory_space<vmem>>, vector<16xi32>,
    %get3A_598 = arith.constant 3 : i32
    %get3A_599 = arith.index_cast %get3A_598 : i32 to index
    %get3A_600 = arith.constant 96 : index
    %get3A_601 = tpu.vector_load %arg8[%get3A_599, %get3A_600] {strides = array<i32>} : memref<4x128xi32, #tpu.memory_space<vmem>>, vector<16xi32>,
    %get3A_602 = arith.constant 3 : i32
    %get3A_603 = arith.index_cast %get3A_602 : i32 to index
    %get3A_604 = arith.constant 96 : index
    %get3A_605 = tpu.vector_load %arg9[%get3A_603, %get3A_604] {strides = array<i32>} : memref<4x128xf32, #tpu.memory_space<vmem>>, vector<16xf32>,
    %mul3A_606 = arith.constant 100 : i32
    %mul3A_607 = vector.broadcast %mul3A_606 : i32 to vector<16xi32>
    %mul3A_608 = arith.muli %get3A_601, %mul3A_607 : vector<16xi32>
    %add3A_609 = arith.addi %mul3A_608, %get3A_597 : vector<16xi32>
    %gather3A_610 = tpu.vector_load_idx %arg10[%add3A_609] : memref<10000xf32, #tpu.memory_space<vmem>>[vector<16xi32>], vector<16xf32>,
    %mul3A_611 = arith.mulf %gather3A_610, %get3A_605 : vector<16xf32>
    %add3A_612 = arith.addf %add3A_593, %mul3A_611 : vector<16xf32>
    %get3A_613 = arith.constant 3 : i32
    %get3A_614 = arith.index_cast %get3A_613 : i32 to index
    %get3A_615 = arith.constant 112 : index
    %get3A_616 = tpu.vector_load %arg7[%get3A_614, %get3A_615] {strides = array<i32>} : memref<4x128xi32, #tpu.memory_space<vmem>>, vector<16xi32>,
    %get3A_617 = arith.constant 3 : i32
    %get3A_618 = arith.index_cast %get3A_617 : i32 to index
    %get3A_619 = arith.constant 112 : index
    %get3A_620 = tpu.vector_load %arg8[%get3A_618, %get3A_619] {strides = array<i32>} : memref<4x128xi32, #tpu.memory_space<vmem>>, vector<16xi32>,
    %get3A_621 = arith.constant 3 : i32
    %get3A_622 = arith.index_cast %get3A_621 : i32 to index
    %get3A_623 = arith.constant 112 : index
    %get3A_624 = tpu.vector_load %arg9[%get3A_622, %get3A_623] {strides = array<i32>} : memref<4x128xf32, #tpu.memory_space<vmem>>, vector<16xf32>,
    %mul3A_625 = arith.constant 100 : i32
    %mul3A_626 = vector.broadcast %mul3A_625 : i32 to vector<16xi32>
    %mul3A_627 = arith.muli %get3A_620, %mul3A_626 : vector<16xi32>
    %add3A_628 = arith.addi %mul3A_627, %get3A_616 : vector<16xi32>
    %gather3A_629 = tpu.vector_load_idx %arg10[%add3A_628] : memref<10000xf32, #tpu.memory_space<vmem>>[vector<16xi32>], vector<16xf32>,
    %mul3A_630 = arith.mulf %gather3A_629, %get3A_624 : vector<16xf32>
    %add3A_631 = arith.addf %add3A_612, %mul3A_630 : vector<16xf32>
    %swap3A = arith.constant 0 : index
    %swap3A_632 = tpu.vector_load %arg11[%swap3A] {strides = array<i32>} : memref<16xf32, #tpu.memory_space<vmem>>, vector<16xf32>,
    tpu.vector_store %arg11[%swap3A], %add3A_631 {strides = array<i32>} : memref<16xf32, #tpu.memory_space<vmem>>, vector<16xf32>,
    "tpu.region"() ({
      %run_scoped3A = tpu.sem_alloc : memref<!tpu.dma_semaphore, #tpu.memory_space<semaphore_mem>>
      %dma_start3A_633 = arith.constant 0 : i32
      %dma_start3A_634 = tpu.memref_slice %arg6[%add3A, %dma_start3A_633] : memref<32x16xf32, #tpu.memory_space<hbm>> -> memref<1x16xf32, #tpu.memory_space<hbm>>
      %dma_start3A_635 = tpu.memref_squeeze %dma_start3A_634 : memref<1x16xf32, #tpu.memory_space<hbm>> -> memref<16xf32, #tpu.memory_space<hbm>>
      %dma_start3A_636 = arith.constant 0 : i32
      %dma_start3A_637 = tpu.memref_slice %arg6[%add3A, %dma_start3A_636] : memref<32x16xf32, #tpu.memory_space<hbm>> -> memref<1x16xf32, #tpu.memory_space<hbm>>
      %dma_start3A_638 = tpu.memref_squeeze %dma_start3A_637 : memref<1x16xf32, #tpu.memory_space<hbm>> -> memref<16xf32, #tpu.memory_space<hbm>>
      tpu.enqueue_dma source(%arg11 : memref<16xf32, #tpu.memory_space<vmem>>) target(%dma_start3A_638 : memref<16xf32, #tpu.memory_space<hbm>>) target_semaphore(%run_scoped3A : memref<!tpu.dma_semaphore, #tpu.memory_space<semaphore_mem>>)
      %dma_wait3A_639 = arith.constant 0 : i32
      %dma_wait3A_640 = tpu.memref_slice %arg6[%add3A, %dma_wait3A_639] : memref<32x16xf32, #tpu.memory_space<hbm>> -> memref<1x16xf32, #tpu.memory_space<hbm>>
      %dma_wait3A_641 = tpu.memref_squeeze %dma_wait3A_640 : memref<1x16xf32, #tpu.memory_space<hbm>> -> memref<16xf32, #tpu.memory_space<hbm>>
      %dma_wait3A_642 = arith.constant 0 : i32
      %dma_wait3A_643 = tpu.memref_slice %arg6[%add3A, %dma_wait3A_642] : memref<32x16xf32, #tpu.memory_space<hbm>> -> memref<1x16xf32, #tpu.memory_space<hbm>>
      %dma_wait3A_644 = tpu.memref_squeeze %dma_wait3A_643 : memref<1x16xf32, #tpu.memory_space<hbm>> -> memref<16xf32, #tpu.memory_space<hbm>>
      tpu.wait_dma2 semaphore(%run_scoped3A : memref<!tpu.dma_semaphore, #tpu.memory_space<semaphore_mem>>) src(%arg11 : memref<16xf32, #tpu.memory_space<vmem>>) dst(%dma_wait3A_644 : memref<16xf32, #tpu.memory_space<hbm>>)
      tpu.yield
    }) : () -> ()
    return
  }
}

</mosaic_0001>

<sc_bundles>
// kernel: wrapper.3.cloned.1.call-start
scs
__scs_entry_jumppad:
0x0: {  	(pc) =	sbr.rel $0x88, $3  }
0x1: {  	(tag) =	ssettag $0x0;
	lr =	simm.s32 $0x1  }
0x2: {  	[smem:$0x3F9D] =	sst lr;
	_ =	strace $0xD0000000  }
0x3: {  	_ = 	snop  }
0x4: {  	_ = 	snop  }
0x5: {  	_ = 	snop  }
0x6: {  	_ = 	snop  }
0x7: {  	_ = 	snop  }
__scs_overlays_trampoline_lowered:
0x8: {  	[smem:$0x3FAC] =	sst s0  }
0x9: {  	[smem:$0x3FAD] =	sst s1  }
0xa: {  	[smem:$0x3FAE] =	sst s2  }
0xb: {  	[smem:$0x3FAF] =	sst s3  }
0xc: {  	[smem:$0x3FB0] =	sst s4  }
0xd: {  	[smem:$0x3FB1] =	sst s5  }
0xe: {  	[smem:$0x3FB2] =	sst s6  }
0xf: {  	[smem:$0x3FB3] =	sst s7  }
0x10: {  	[smem:$0x3FB4] =	sst s8  }
0x11: {  	[smem:$0x3FB5] =	sst s9;
	s0 =	simm.s32 @!p0 $0x0  }
0x12: {  	s1 =	sld [smem:$0x3F9B];
	s0 =	simm.s32 @p0 $0x1  }
0x13: {  	[smem:$0x3FB6] =	sst s0;
	s0 =	simm.s32 @!p1 $0x0  }
0x14: {  	s2 =	sld [smem:$0x3F9A];
	s0 =	simm.s32 @p1 $0x1  }
0x15: {  	[smem:$0x3FB7] =	sst s0;
	s0 =	simm.s32 @!p2 $0x0  }
0x16: {  	s3 =	sld [smem:$0x3FDB];
	s0 =	simm.s32 @p2 $0x1  }
0x17: {  	s4 =	simm.s32 $0x1BF5;
	[smem:$0x3FB9] =	sst s0  }
0x18: {  	s0 =	sld [smem:$0x3F9C];
	_ =	swait.ge [sflag:s4], $0x0  }
0x19: {  	s7 =	sld [smem:$0x3F9D]  }
0x1a: {  	s8 =	sadd.s32 $0xFFFFE003, lr  }
0x1b: {  	s9 =	sadd.s32 $0xFFFFFEF7, lr;
	s5 =	simm.s32 $0xFFFFFFFF;
	p2 =	slt.u32 s8, $0xFFFFF086  }
0x1c: {  	p1 =	slt.u32 s9, $0xF7A;
	s5 =	simm.s32 @!p2 $0x0  }
0x1d: {  	s5 =	simm.s32 @p1 $0x1;
	p0 =	seq.s32 s7, s2  }
0x1e: {  	s7 =	smul.u32 @!p0 $0xF7A, s2;
	p2 =	seq.s32 @!p0 s5, $0x0  }
0x1f: {  	s9 =	smul.u32 $0xF7A, s1;
	s8 =	simm.s32 @!p0 $0x1BF5;
	p2 =	por !p2, p0  }
0x20: {  	[sflag:s8] =	ssyncset.s32 @!p0 $0xFFFFF086;
	s6 =	sadd.s32 @!p0 s3, s7;
	s7 =	simm.s32 @!p0 $0x108  }
0x21: {  	s3 =	sadd.s32 s3, s9;
	s6 =	sadd.s32 @!p0 $0x88, s6;
	s7 =	simm.s32 @p2 $0x1082  }
0x22: {  	[simem:s7], [sflag:s8] =	dma.local @!p0 [hbm:s6], $0xF7A  }
0x23: {  	s9 =	sor.u32 $0xD0000000, s2;
	s6 =	simm.s32 $0x108;
	_ =	swait.ge @!p0 [sflag:s8], $0x0  }
0x24: {  	s3 =	sadd.s32 $0x88, s3;
	s6 =	simm.s32 @!p1 $0x1082;
	[sflag:s4] =	ssyncset.s32 $0xFFFFF086  }
0x25: {  	[simem:s6], [sflag:s4] =	dma.local [hbm:s3], $0xF7A  }
0x26: {  	[smem:$0x3F9D] =	sst s1;
	(tag) =	ssettag s2;
	_ =	strace s9  }
0x27: {  	s1 =	sld [smem:$0x3FAD]  }
0x28: {  	s2 =	sld [smem:$0x3FAE]  }
0x29: {  	s4 =	sld [smem:$0x3FB0]  }
0x2a: {  	p0 =	seq.s32 s5, $0x0;
	s5 =	sld [smem:$0x3FB1]  }
0x2b: {  	s6 =	sld [smem:$0x3FB2]  }
0x2c: {  	s7 =	sld [smem:$0x3FB3]  }
0x2d: {  	s3 =	simm.s32 $0x108;
	s8 =	sld [smem:$0x3FB4]  }
0x2e: {  	s3 =	simm.s32 @!p0 $0x1082;
	s9 =	sld [smem:$0x3FB5]  }
0x2f: {  	lr =	sadd.s32 s0, s3;
	s0 =	sld [smem:$0x3FAC]  }
0x30: {  	s3 =	sld [smem:$0x3FAF]  }
0x31: {  	[smem:$0x3FB8] =	sst s10  }
0x32: {  	s10 =	sld [smem:$0x3FB6];
	_ =	sdelay $0x3  }
0x33: {  	p0 =	seq.s32 s10, $0x1;
	s10 =	sld [smem:$0x3FB8];
	_ =	sdelay $0x3  }
0x34: {  	[smem:$0x3FB8] =	sst s10  }
0x35: {  	s10 =	sld [smem:$0x3FB7];
	_ =	sdelay $0x3  }
0x36: {  	p1 =	seq.s32 s10, $0x1;
	s10 =	sld [smem:$0x3FB8];
	_ =	sdelay $0x3  }
0x37: {  	[smem:$0x3FB8] =	sst s10  }
0x38: {  	s10 =	sld [smem:$0x3FB9]  }
0x39: {  	_ = 	snop;
	(pc) =	sbr.ind lr, $3  }
0x3a: {  	_ = 	snop  }
0x3b: {  	_ = 	snop  }
0x3c: {  	p2 =	seq.s32 s10, $0x1;
	s10 =	sld [smem:$0x3FB8]  }
0x3d: {  	_ =	shalt  }
0x3e: {  	_ =	shalt  }
0x3f: {  	_ =	shalt  }
0x40: {  	_ =	shalt  }
0x41: {  	_ =	shalt  }
0x42: {  	_ =	shalt  }
0x43: {  	_ =	shalt  }
0x44: {  	_ =	shalt  }
0x45: {  	_ =	shalt  }
0x46: {  	_ =	shalt  }
0x47: {  	_ =	shalt  }
0x48: {  	_ =	shalt  }
0x49: {  	_ =	shalt  }
0x4a: {  	_ =	shalt  }
0x4b: {  	_ =	shalt  }
0x4c: {  	_ =	shalt  }
0x4d: {  	_ =	shalt  }
0x4e: {  	_ =	shalt  }
0x4f: {  	_ =	shalt  }
0x50: {  	_ =	shalt  }
0x51: {  	_ =	shalt  }
0x52: {  	_ =	shalt  }
0x53: {  	_ =	shalt  }
0x54: {  	_ =	shalt  }
0x55: {  	_ =	shalt  }
0x56: {  	_ =	shalt  }
0x57: {  	_ =	shalt  }
0x58: {  	_ =	shalt  }
0x59: {  	_ =	shalt  }
0x5a: {  	_ =	shalt  }
0x5b: {  	_ =	shalt  }
0x5c: {  	_ =	shalt  }
0x5d: {  	_ =	shalt  }
0x5e: {  	_ =	shalt  }
0x5f: {  	_ =	shalt  }
0x60: {  	_ =	shalt  }
0x61: {  	_ =	shalt  }
0x62: {  	_ =	shalt  }
0x63: {  	_ =	shalt  }
0x64: {  	_ =	shalt  }
0x65: {  	_ =	shalt  }
0x66: {  	_ =	shalt  }
0x67: {  	_ =	shalt  }
0x68: {  	_ =	shalt  }
0x69: {  	_ =	shalt  }
0x6a: {  	_ =	shalt  }
0x6b: {  	_ =	shalt  }
0x6c: {  	_ =	shalt  }
0x6d: {  	_ =	shalt  }
0x6e: {  	_ =	shalt  }
0x6f: {  	_ =	shalt  }
0x70: {  	_ =	shalt  }
0x71: {  	_ =	shalt  }
0x72: {  	_ =	shalt  }
0x73: {  	_ =	shalt  }
0x74: {  	_ =	shalt  }
0x75: {  	_ =	shalt  }
0x76: {  	_ =	shalt  }
0x77: {  	_ =	shalt  }
0x78: {  	_ =	shalt  }
0x79: {  	_ =	shalt  }
0x7a: {  	_ =	shalt  }
0x7b: {  	_ =	shalt  }
0x7c: {  	_ =	shalt  }
0x7d: {  	_ =	shalt  }
0x7e: {  	_ =	shalt  }
0x7f: {  	_ =	shalt  }
0x80: {  	_ =	shalt  }
0x81: {  	_ =	shalt  }
0x82: {  	_ =	shalt  }
0x83: {  	_ =	shalt  }
0x84: {  	_ =	shalt  }
0x85: {  	_ =	shalt  }
0x86: {  	_ =	shalt  }
0x87: {  	_ =	shalt  }
.Lfunc_end0:
.L_simem_size_0:
called_computation_lowered:
.L_overlay_start_0:
0x88: {  	s2 =	sld [smem:$0x3FD9]  }
0x89: {  	s3 =	sld [smem:$0x3FFE];
	_ =	sdelay $0x1  }
0x8a: {  	s1 =	srdreg.scid  }
0x8b: {  	s0 =	sand.u32 $0x1, s1  }
0x8c: {  	s17 =	sshll.u32 s0, $0xA;
	s2 =	sadd.s32 s3, s2  }
0x8d: {  	s2 =	sadd.s32 s2, s17  }
0x8e: {  	[smem:$0x3FC4] =	sst s2  }
0x8f: {  	_ = 	snop  }
0x90: {  	s2 =	sld [smem:$0x3FC9]  }
0x91: {  	s18 =	sld [smem:$0x3FC8]  }
0x92: {  	s4 =	sld [smem:$0x3FC7]  }
0x93: {  	s5 =	sld [smem:$0x3FC6];
	(tm) =	ssettm $0x1  }
0x94: {  	s6 =	sld [smem:$0x3FFB];
	_ =	sdelay $0x3  }
0x95: {  	_ =	strace s6  }
0x96: {  	s6 =	sld [smem:$0x3FFC];
	_ =	sdelay $0x3  }
0x97: {  	_ =	strace s6  }
0x98: {  	s6 =	sld [smem:$0x3FFD];
	_ =	sdelay $0x3  }
0x99: {  	_ =	strace s6  }
0x9a: {  	_ =	strace $0x8FFFFFFF  }
0x9b: {  	s19 =	sld [smem:$0x3FDB];
	_ =	sdelay $0x1  }
0x9c: {  	s7 =	simm.s32 $_scs_section_size  }
0x9d: {  	s8 =	simm.s32 $_size__tile_overlayer_lowered;
	s9 =	simm.s32 $_tile_overlayer_lowered  }
0x9e: {  	s22 =	simm.s32 $0x1BFF;
	s21 =	sshll.u32 s9, $0x1;
	s6 =	sadd.s32 s7, s19  }
0x9f: {  	s10 =	simm.s32 $0x0;
	s20 =	sshll.u32 s8, $0x1;
	s8 =	sadd.s32 s21, s6  }
0xa0: {  	[timem:s10], [sflag:s22] =	dma.local [hbm:s8], s20  }
0xa1: {  	_ =	swait.ge [sflag:s22], s20  }
0xa2: {  	s7 =	ssub.s32 $0x0, s20;
	[sflag:s22] =	ssyncset.done $0x0  }
0xa3: {  	[sflag:s22] =	ssyncadd.s32 s7;
	_ =	sdelay $0x1  }
0xa4: {  	s23 =	simm.s32 $0x1B8B  }
0xa5: {  	_ =	swait.ge [sflag:s23], $0x1  }
0xa6: {  	[sflag:s23] =	ssyncset.done $0x0  }
0xa7: {  	s25 =	simm.s32 $0x1B8E;
	s24 =	sld [smem:$0x3FFE];
	[sflag:s23] =	ssyncadd.s32 $0xFFFFFFFF  }
0xa8: {  	s26 =	simm.s32 $execute0_lowered;
	[smem:$0x3FD2] =	sst s25  }
0xa9: {  	s8 =	sshll.u32 s26, $0x1;
	_ =	strace $0x80000046;
	[dreg:$0x1] =	wrdreg $0xFFFFFFFF  }
0xaa: {  	s28 =	simm.s32 $_size_execute0_lowered;
	s6 =	sadd.s32 s6, s8;
	[dreg:$0x0] =	wrdreg $0x0  }
0xab: {  	s8 =	sshll.u32 s28, $0x1;
	[dreg:$0x2] =	wrdreg s6  }
0xac: {  	[dreg:$0x3] =	wrdreg s8  }
0xad: {  	[dreg:$0x4] =	wrdreg $0xC0  }
0xae: {  	_ =	task [dreg:s10], $0x5FFFF  }
0xaf: {  	[dreg:$0x1] =	wrdreg $0xFFFFFFFF  }
0xb0: {  	[dreg:$0x0] =	wrdreg $0x60  }
0xb1: {  	[dreg:$0x2] =	wrdreg s2  }
0xb2: {  	[dreg:$0x3] =	wrdreg s18  }
0xb3: {  	[dreg:$0x4] =	wrdreg s4  }
0xb4: {  	[dreg:$0x5] =	wrdreg s5  }
0xb5: {  	[dreg:$0x6] =	wrdreg s24  }
0xb6: {  	[dreg:$0x7] =	wrdreg $0x9  }
0xb7: {  	_ =	task.clear_ibuf [dreg:s10], $0x8FFFF;
	_ =	strace $0x90000046  }
0xb8: {  	s29 =	simm.s32 $0x9;
	_ =	strace $0x80000048  }
0xb9: {  	_ =	swait.ge [sflag:s29], $0x1  }
0xba: {  	[sflag:s29] =	ssyncadd.s32 $0xFFFFFFFF  }
0xbb: {  	_ =	strace $0x90000048  }
0xbc: {  	_ =	sfence  }
0xbd: {  	s30 =	sld [smem:$0x0];
	_ =	sdelay $0x2  }
0xbe: {  	s31 =	sshll.u32 s1, $0xD;
	s1 =	sshrl.u32 s1, $0x2  }
0xbf: {  	s3 =	sand.u32 $0x4000, s31;
	s1 =	sadd.s32 s1, s30  }
0xc0: {  	s0 =	sor.u32 s3, s0;
	s1 =	sshll.u32 s1, $0x11  }
0xc1: {  	s0 =	sor.u32 s1, s0  }
0xc2: {  	s0 =	sadd.s32 $0x8F2B, s0  }
0xc3: {  	[sflag:s0] =	ssyncadd.remote.s32 $0x1  }
0xc4: {  	_ =	sfence.sel $0xFFFF  }
0xc5: {  	[dreg:$0x0] =	wrdreg $0xFFFFFFFF;
	(pc) =	sbr.abs _section_cstart, $3  }
0xc6: {  	[dreg:$0x1] =	wrdreg $0xFFFFFFFF  }
0xc7: {  	_ =	task.clear_ibuf [dreg:s10], $0x2FFFF;
	_ =	strace $0x9FFFFFFF  }
0xc8: {  	(tm) =	ssettm $0x7FFFFFFF  }
0xc9: {  	_ =	shalt  }
tec
execute0_lowered:
.L_overlay_start_1:
0x0: {  	(tag) =	ssettag $0x1  }
0x1: {  	s4 =	rddreg [dreg:$0x0]  }
0x2: {  	s5 =	rddreg [dreg:$0x1]  }
0x3: {  	s6 =	rddreg [dreg:$0x2]  }
0x4: {  	s1 =	rddreg [dreg:$0x3]  }
0x5: {  	s3 =	rddreg [dreg:$0x4]  }
0x6: {  	s0 =	rddreg [dreg:$0x5]  }
0x7: {  	s2 =	simm.s32 $0x0;
	s7 =	srdreg.scid;
	s12 =	simm.s32 $0x1  }
0x8: {  	s13 =	simm.s32 $0x2;
	s14 =	simm.s32 $0x3;
	s15 =	simm.s32 $0x4  }
0x9: {  	s16 =	simm.s32 $0x2D80;
	[smem:$0x7FF] =	sst s2;
	s7 =	sand.u32 $0x1, s7  }
0xa: {  	s17 =	simm.s32 $0x5;
	_ =	strace $0x80000047;
	s8 =	sshll.u32 s7, $0x4  }
0xb: {  	s9 =	ssub.s32 $0x2, s7;
	s8 =	sadd.s32 s8, s3;
	s3 =	stileid.u32  }
0xc: {  	s7 =	sshll.u32 s7, $0x6;
	s10 =	sshrl.u32 s9, $0x1;
	s11 =	sshll.u32 s3, $0x7  }
0xd: {  	s9 =	ssub.s32 s9, s10;
	s31 =	sshll.u32 s3, $0x5;
	s10 =	simm.s32 $0x200  }
0xe: {  	s7 =	sor.u32 s7, s11;
	s8 =	sadd.s32 s31, s8;
	s11 =	simm.s32 $0x400  }
0xf: {  	s4 =	sadd.s32 s4, s7;
	s5 =	sadd.s32 s5, s7;
	s6 =	sadd.s32 s6, s7  }
0x10: {  	s7 =	sadd.s32 $0x400, s8;
	s8 =	smax.u32 s9, $0x1;
	s9 =	simm.s32 $0x600  }
.LBB2_1:
0x11: {  	[tilespmem:s9], [sflag:$0x1] =	stream.linear.gather [hbm4b:s1+s2], $0x2780, $0x38;
	[tilespmem:$0x2E00] =	vst v63  }
0x12: {  	_ = 	snop  }
0x13: {  	[tilespmem:s2], [sflag:$0x2] =	stream.linear.gather [hbm4b:s4+s2], $0x200, $0x38;
	[tilespmem:$0x2E00] =	vst v63  }
0x14: {  	_ = 	snop  }
0x15: {  	[tilespmem:s10], [sflag:$0x3] =	stream.linear.gather [hbm4b:s5+s2], $0x200, $0x38;
	[tilespmem:$0x2E00] =	vst v63  }
0x16: {  	_ = 	snop  }
0x17: {  	[tilespmem:s11], [sflag:$0x4] =	stream.linear.gather [hbm4b:s6+s2], $0x200, $0x38;
	[tilespmem:$0x2E00] =	vst v63  }
0x18: {  	_ =	swait.ge [sflag:s12], $0x2780  }
0x19: {  	[sflag:s12] =	ssyncset.done $0x0  }
0x1a: {  	[sflag:s12] =	ssyncadd.s32 $0xFFFFD880  }
0x1b: {  	_ =	swait.ge [sflag:s13], $0x200  }
0x1c: {  	[sflag:s13] =	ssyncset.done $0x0  }
0x1d: {  	[sflag:s13] =	ssyncadd.s32 $0xFFFFFE00  }
0x1e: {  	_ =	swait.ge [sflag:s14], $0x200  }
0x1f: {  	[sflag:s14] =	ssyncset.done $0x0  }
0x20: {  	[sflag:s14] =	ssyncadd.s32 $0xFFFFFE00  }
0x21: {  	_ =	swait.ge [sflag:s15], $0x200  }
0x22: {  	[sflag:s15] =	ssyncset.done $0x0  }
0x23: {  	[sflag:s15] =	ssyncadd.s32 $0xFFFFFE00  }
0x24: {  	v0 =	vld [tilespmem:$0x200]  }
0x25: {  	v1 =	vld [tilespmem:$0x0]  }
0x26: {  	v2 =	vld [tilespmem:$0x210]  }
0x27: {  	v3 =	vld [tilespmem:$0x10]  }
0x28: {  	v62 =	vld [tilespmem:$0x400]  }
0x29: {  	v63 =	vld [tilespmem:$0x410]  }
0x2a: {  	v4 =	vld [tilespmem:$0x220]  }
0x2b: {  	v5 =	vld [tilespmem:$0x20]  }
0x2c: {  	v6 =	vld [tilespmem:$0x420]  }
0x2d: {  	v7 =	vld [tilespmem:$0x230]  }
0x2e: {  	v8 =	vld [tilespmem:$0x30]  }
0x2f: {  	v9 =	vld [tilespmem:$0x240]  }
0x30: {  	v10 =	vld [tilespmem:$0x40]  }
0x31: {  	v39 =	vld [tilespmem:$0x250]  }
0x32: {  	v11 =	vld [tilespmem:$0x50]  }
0x33: {  	v12 =	vld [tilespmem:$0x260]  }
0x34: {  	v41 =	vld [tilespmem:$0x60]  }
0x35: {  	v13 =	vld [tilespmem:$0x270]  }
0x36: {  	v42 =	vld [tilespmem:$0x70]  }
0x37: {  	v14 =	vld [tilespmem:$0x430]  }
0x38: {  	v44 =	vld [tilespmem:$0x440]  }
0x39: {  	v46 =	vld [tilespmem:$0x450]  }
0x3a: {  	v47 =	vld [tilespmem:$0x460]  }
0x3b: {  	v15 =	vld [tilespmem:$0x470]  }
0x3c: {  	v16 =	vld [tilespmem:$0x280]  }
0x3d: {  	v17 =	vld [tilespmem:$0x80]  }
0x3e: {  	v18 =	vld [tilespmem:$0x480]  }
0x3f: {  	v19 =	vld [tilespmem:$0x290]  }
0x40: {  	v20 =	vld [tilespmem:$0x90]  }
0x41: {  	v21 =	vld [tilespmem:$0x2A0]  }
0x42: {  	v22 =	vld [tilespmem:$0xA0]  }
0x43: {  	v48 =	vld [tilespmem:$0x2B0]  }
0x44: {  	v23 =	vld [tilespmem:$0xB0]  }
0x45: {  	v24 =	vld [tilespmem:$0x2C0]  }
0x46: {  	v50 =	vld [tilespmem:$0xC0]  }
0x47: {  	v25 =	vld [tilespmem:$0x2D0]  }
0x48: {  	v51 =	vld [tilespmem:$0xD0]  }
0x49: {  	v26 =	vld [tilespmem:$0x490]  }
0x4a: {  	v53 =	vld [tilespmem:$0x4A0]  }
0x4b: {  	v27 =	vld [tilespmem:$0x4D0]  }
0x4c: {  	v28 =	vld [tilespmem:$0x2E0]  }
0x4d: {  	v29 =	vld [tilespmem:$0xE0]  }
0x4e: {  	v30 =	vld [tilespmem:$0x4E0]  }
0x4f: {  	v31 =	vld [tilespmem:$0x2F0]  }
0x50: {  	v32 =	vld [tilespmem:$0xF0]  }
0x51: {  	v33 =	vld [tilespmem:$0x300]  }
0x52: {  	v34 =	vld [tilespmem:$0x100]  }
0x53: {  	v55 =	vld [tilespmem:$0x310]  }
0x54: {  	v35 =	vld [tilespmem:$0x110]  }
0x55: {  	v36 =	vld [tilespmem:$0x320]  }
0x56: {  	v57 =	vld [tilespmem:$0x120]  }
0x57: {  	v37 =	vld [tilespmem:$0x330]  }
0x58: {  	v58 =	vld [tilespmem:$0x130]  }
0x59: {  	v38 =	vld [tilespmem:$0x340]  }
0x5a: {  	v54 =	vmul.u32 $0x64, v25;
	v25 =	vld [tilespmem:$0x4B0]  }
0x5b: {  	v31 =	vmul.u32 $0x64, v31;
	v56 =	vmul.u32 $0x64, v33;
	v33 =	vld [tilespmem:$0x500]  }
0x5c: {  	v7 =	vmul.u32 $0x64, v7;
	v40 =	vmul.u32 $0x64, v9;
	v59 =	vmul.u32 $0x64, v36;
	v36 =	vld [tilespmem:$0x530]  }
0x5d: {  	v43 =	vmul.u32 $0x64, v12;
	v31 =	vadd.s32 v32, v31;
	v32 =	vadd.s32 v34, v56;
	v34 =	vld [tilespmem:$0x4F0]  }
0x5e: {  	v0 =	vmul.u32 $0x64, v0;
	v7 =	vadd.s32 v8, v7;
	v8 =	vadd.s32 v10, v40;
	v40 =	vld [tilespmem:$0x140]  }
0x5f: {  	v19 =	vmul.u32 $0x64, v19;
	v49 =	vmul.u32 $0x64, v21;
	v9 =	vadd.s32 v41, v43;
	v41 =	vld [tilespmem:$0x540]  }
0x60: {  	v61 =	vmul.u32 $0x64, v2;
	v52 =	vmul.u32 $0x64, v24;
	v0 =	vadd.s32 v1, v0;
	v43 =	vld [tilespmem:$0x350]  }
0x61: {  	v19 =	vadd.s32 v20, v19;
	v20 =	vadd.s32 v22, v49;
	v49 =	vld [tilespmem:$0x370]  }
0x62: {  	v4 =	vmul.u32 $0x64, v4;
	v1 =	vadd.s32 v3, v61;
	v21 =	vadd.s32 v50, v52;
	v50 =	vld [tilespmem:$0x170]  }
0x63: {  	v52 =	vld [tilespmem:$0x380]  }
0x64: {  	v4 =	vadd.s32 v5, v4;
	v22 =	vadd.s32 v51, v54;
	v54 =	vld [tilespmem:$0x180]  }
0x65: {  	v0 =	vld.idx.msk [tilespmem:v0+s9+$0x0], $0xffff  }
0x66: {  	v16 =	vmul.u32 $0x64, v16;
	v56 =	vld [tilespmem:$0x390]  }
0x67: {  	v5 =	vmul.u32 $0x64, v39;
	v1 =	vld.idx.msk [tilespmem:v1+s9+$0x0], $0xffff  }
0x68: {  	v16 =	vadd.s32 v17, v16;
	v17 =	vmul.u32 $0x64, v48;
	v60 =	vadd.s32 v57, v59;
	v59 =	vld [tilespmem:$0x550]  }
0x69: {  	v45 =	vmul.u32 $0x64, v13;
	v61 =	vmul.u32 $0x64, v37;
	v4 =	vld.idx.msk [tilespmem:v4+s9+$0x0], $0xffff  }
0x6a: {  	v5 =	vadd.s32 v11, v5;
	v17 =	vadd.s32 v23, v17;
	v23 =	vld [tilespmem:$0x4C0];
	v0 =	vmul.f32 v0, v62  }
0x6b: {  	v10 =	vadd.s32 v42, v45;
	v7 =	vld.idx.msk [tilespmem:v7+s9+$0x0], $0xffff  }
0x6c: {  	v2 =	vadd.s32 v58, v61;
	v58 =	vld [tilespmem:$0x190];
	v1 =	vmul.f32 v1, v63;
	v0 =	vadd.f32 $0.0e+00, v0  }
0x6d: {  	v8 =	vld.idx.msk [tilespmem:v8+s9+$0x0], $0xffff  }
0x6e: {  	v61 =	vld [tilespmem:$0x560];
	v62 =	vmul.f32 v4, v6;
	v0 =	vadd.f32 v1, v0  }
0x6f: {  	v5 =	vld.idx.msk [tilespmem:v5+s9+$0x0], $0xffff  }
0x70: {  	v9 =	vld.idx.msk [tilespmem:v9+s9+$0x0], $0xffff;
	v63 =	vmul.f32 v7, v14;
	v0 =	vadd.f32 v62, v0  }
0x71: {  	v28 =	vmul.u32 $0x64, v28;
	v10 =	vld.idx.msk [tilespmem:v10+s9+$0x0], $0xffff  }
0x72: {  	v4 =	vld.idx.msk [tilespmem:v32+s9+$0x0], $0xffff;
	v32 =	vmul.f32 v8, v44;
	v0 =	vadd.f32 v63, v0  }
0x73: {  	v28 =	vadd.s32 v29, v28;
	v16 =	vld.idx.msk [tilespmem:v16+s9+$0x0], $0xffff  }
0x74: {  	v19 =	vld.idx.msk [tilespmem:v19+s9+$0x0], $0xffff;
	v37 =	vmul.f32 v5, v46;
	v0 =	vadd.f32 v32, v0  }
0x75: {  	v20 =	vld.idx.msk [tilespmem:v20+s9+$0x0], $0xffff  }
0x76: {  	v21 =	vld.idx.msk [tilespmem:v21+s9+$0x0], $0xffff;
	v39 =	vmul.f32 v9, v47;
	v0 =	vadd.f32 v37, v0  }
0x77: {  	v22 =	vld.idx.msk [tilespmem:v22+s9+$0x0], $0xffff  }
0x78: {  	v29 =	vmul.u32 $0x64, v55;
	v28 =	vld.idx.msk [tilespmem:v28+s9+$0x0], $0xffff;
	v42 =	vmul.f32 v10, v15;
	v0 =	vadd.f32 v39, v0  }
0x79: {  	v3 =	vld.idx.msk [tilespmem:v31+s9+$0x0], $0xffff  }
0x7a: {  	v29 =	vadd.s32 v35, v29;
	v35 =	vld.idx.msk [tilespmem:v60+s9+$0x0], $0xffff;
	v45 =	vmul.f32 v16, v18;
	v0 =	vadd.f32 v42, v0  }
0x7b: {  	v17 =	vld.idx.msk [tilespmem:v17+s9+$0x0], $0xffff  }
0x7c: {  	v31 =	vld [tilespmem:$0x5A0];
	v48 =	vmul.f32 v19, v26;
	v0 =	vadd.f32 v45, v0  }
0x7d: {  	v2 =	vld.idx.msk [tilespmem:v2+s9+$0x0], $0xffff  }
0x7e: {  	v6 =	vld [tilespmem:$0x510];
	v51 =	vmul.f32 v20, v53;
	v0 =	vadd.f32 v48, v0  }
0x7f: {  	v7 =	vld.idx.msk [tilespmem:v29+s9+$0x0], $0xffff  }
0x80: {  	v29 =	vld [tilespmem:$0x520];
	v55 =	vmul.f32 v17, v25;
	v0 =	vadd.f32 v51, v0  }
0x81: {  	v44 =	vld [tilespmem:$0x150]  }
0x82: {  	v47 =	vld [tilespmem:$0x160];
	v57 =	vmul.f32 v21, v23;
	v0 =	vadd.f32 v55, v0  }
0x83: {  	v60 =	vmul.f32 v22, v27;
	v22 =	vld [tilespmem:$0x580]  }
0x84: {  	v20 =	vmul.f32 v3, v34;
	v34 =	vld [tilespmem:$0x1B0];
	v0 =	vadd.f32 v57, v0  }
0x85: {  	v10 =	vmul.u32 $0x64, v43;
	v46 =	vld [tilespmem:$0x360]  }
0x86: {  	v43 =	vld [tilespmem:$0x3E0];
	v5 =	vmul.u32 $0x64, v38;
	v62 =	vmul.f32 v28, v30;
	v0 =	vadd.f32 v60, v0  }
0x87: {  	v25 =	vld [tilespmem:$0x590]  }
0x88: {  	v38 =	vld [tilespmem:$0x1C0];
	v5 =	vadd.s32 v40, v5;
	v0 =	vadd.f32 v62, v0  }
0x89: {  	v40 =	vld [tilespmem:$0x3D0];
	v10 =	vadd.s32 v44, v10  }
0x8a: {  	v23 =	vmul.f32 v4, v33;
	v33 =	vld [tilespmem:$0x3B0];
	v53 =	vmul.u32 $0x64, v46;
	v0 =	vadd.f32 v20, v0  }
0x8b: {  	v9 =	vmul.u32 $0x64, v49;
	v44 =	vld [tilespmem:$0x1E0]  }
0x8c: {  	v26 =	vmul.f32 v7, v6;
	v28 =	vld [tilespmem:$0x3A0];
	v13 =	vadd.s32 v47, v53;
	v0 =	vadd.f32 v23, v0  }
0x8d: {  	v19 =	vmul.u32 $0x64, v52;
	v9 =	vadd.s32 v50, v9;
	v5 =	vld.idx.msk [tilespmem:v5+s9+$0x0], $0xffff  }
0x8e: {  	v29 =	vmul.f32 v35, v29;
	v30 =	vld [tilespmem:$0x1A0];
	v0 =	vadd.f32 v26, v0  }
0x8f: {  	v15 =	vadd.s32 v54, v19;
	v10 =	vld.idx.msk [tilespmem:v10+s9+$0x0], $0xffff  }
0x90: {  	v17 =	vmul.u32 $0x64, v56;
	v32 =	vmul.f32 v2, v36;
	v37 =	vld [tilespmem:$0x3C0];
	v0 =	vadd.f32 v29, v0  }
0x91: {  	v36 =	vmul.u32 $0x64, v28;
	v13 =	vld.idx.msk [tilespmem:v13+s9+$0x0], $0xffff  }
0x92: {  	v16 =	vadd.s32 v58, v17;
	v21 =	vld.idx.msk [tilespmem:v9+s9+$0x0], $0xffff;
	v35 =	vmul.f32 v5, v41;
	v0 =	vadd.f32 v32, v0  }
0x93: {  	v63 =	vld [tilespmem:$0x570];
	v2 =	vmul.u32 $0x64, v33;
	v5 =	vadd.s32 v30, v36  }
0x94: {  	v24 =	vld.idx.msk [tilespmem:v15+s9+$0x0], $0xffff;
	v39 =	vmul.f32 v10, v59;
	v0 =	vadd.f32 v35, v0  }
0x95: {  	v2 =	vadd.s32 v34, v2;
	v41 =	vld [tilespmem:$0x1D0]  }
0x96: {  	v46 =	vld [tilespmem:$0x3F0];
	v7 =	vmul.u32 $0x64, v37;
	v42 =	vmul.f32 v13, v61;
	v0 =	vadd.f32 v39, v0  }
0x97: {  	v27 =	vld.idx.msk [tilespmem:v16+s9+$0x0], $0xffff;
	v8 =	vmul.u32 $0x64, v40  }
0x98: {  	v45 =	vmul.f32 v21, v63;
	v7 =	vadd.s32 v38, v7;
	v5 =	vld.idx.msk [tilespmem:v5+s9+$0x0], $0xffff;
	v0 =	vadd.f32 v42, v0  }
0x99: {  	v50 =	vmul.u32 $0x64, v43;
	v48 =	vld [tilespmem:$0x1F0]  }
0x9a: {  	v49 =	vld [tilespmem:$0x5B0];
	v47 =	vmul.f32 v24, v22;
	v8 =	vadd.s32 v41, v8;
	v0 =	vadd.f32 v45, v0  }
0x9b: {  	v53 =	vadd.s32 v44, v50;
	v51 =	vld.idx.msk [tilespmem:v2+s9+$0x0], $0xffff  }
0x9c: {  	v54 =	vld [tilespmem:$0x5C0];
	v3 =	vmul.u32 $0x64, v46;
	v52 =	vmul.f32 v27, v25;
	v0 =	vadd.f32 v47, v0  }
0x9d: {  	v7 =	vld.idx.msk [tilespmem:v7+s9+$0x0], $0xffff  }
0x9e: {  	v56 =	vld [tilespmem:$0x5D0];
	v55 =	vmul.f32 v5, v31;
	v3 =	vadd.s32 v48, v3;
	v0 =	vadd.f32 v52, v0  }
0x9f: {  	v57 =	vld.idx.msk [tilespmem:v8+s9+$0x0], $0xffff  }
0xa0: {  	v58 =	vld [tilespmem:$0x5E0];
	v1 =	vmul.f32 v51, v49;
	v0 =	vadd.f32 v55, v0  }
0xa1: {  	v6 =	vld.idx.msk [tilespmem:v53+s9+$0x0], $0xffff  }
0xa2: {  	v60 =	vld [tilespmem:$0x5F0];
	v59 =	vmul.f32 v7, v54;
	v0 =	vadd.f32 v1, v0  }
0xa3: {  	v3 =	vld.idx.msk [tilespmem:v3+s9+$0x0], $0xffff  }
0xa4: {  	v61 =	vmul.f32 v57, v56;
	v0 =	vadd.f32 v59, v0;
	_ =	sdelay $0x1  }
0xa5: {  	v62 =	vmul.f32 v6, v58;
	v0 =	vadd.f32 v61, v0;
	_ =	sdelay $0x1  }
0xa6: {  	v63 =	vmul.f32 v3, v60;
	v0 =	vadd.f32 v62, v0;
	_ =	sdelay $0x1  }
0xa7: {  	v0 =	vadd.f32 v63, v0  }
0xa8: {  	p0 =	sne.s32 s8, $0x1  }
.Ltmp0:
0xa9: {  	[tilespmem:$0x2D80] =	vst v0;
	(pc) =	sbr.rel @p0 .LBB2_1-.Ltmp0, $4  }
0xaa: {  	[hbm4b:s7+s2] =	stream.linear.scatter [tilespmem:s16], [sflag:$0x5], $0x80, $0x38;
	[tilespmem:$0x2E00] =	vst v63  }
0xab: {  	_ =	swait.ge [sflag:s17], $0x80  }
0xac: {  	[sflag:s17] =	ssyncset.done $0x0  }
0xad: {  	s8 =	sadd.s32 $0xFFFFFFFF, s8;
	[sflag:s17] =	ssyncadd.s32 $0xFFFFFF80  }
0xae: {  	_ =	sfence.sel $0x180000  }
0xaf: {  	[bflag:$0x0] =	sbarrier.arrive $0xFFFF  }
0xb0: {  	p0 =	sne.s32 s3, $0x0;
	_ =	strace $0x90000047  }
0xb1: {  	s0 =	sadd.s32 @!p0 $0x100000, s0;
	[bflag:$0x2] =	sbarrier.arrive $0xFFFF  }
0xb2: {  	[sflag:s0] =	ssyncadd.tile.s32 @!p0 $0x1;
	_ =	shalt  }
.Lfunc_end2:
_tile_overlayer_lowered:
.L_overlay_start_2:
0xb3: {  	(tag) =	ssettag $0x2  }
0xb4: {  	s0 =	rddreg [dreg:$0x0];
	s2 =	stileid.u32  }
0xb5: {  	s1 =	rddreg [dreg:$0x1];
	p0 =	sne.s32 s2, $0x0  }
0xb6: {  	s3 =	rddreg [dreg:$0x2];
	[bflag:$0x3] =	sbarrier.arrive $0xFFFF;
	s2 =	simm.s32 @!p0 $0x1C05  }
0xb7: {  	[timem:s3], [sflag:s2] =	dma.local @!p0 [hbm:s0], s1  }
0xb8: {  	s0 =	simm.s32 @!p0 $0x5  }
0xb9: {  	_ =	swait.ge @!p0 [sflag:s0], s1  }
0xba: {  	s1 =	ssub.s32 @!p0 $0x0, s1;
	[sflag:s0] =	ssyncset.done @!p0 $0x0  }
0xbb: {  	[sflag:s0] =	ssyncadd.s32 @!p0 s1  }
0xbc: {  	[bflag:$0x3] =	sbarrier.arrive $0xFFFF  }
0xbd: {  	_ =	shalt  }

</sc_bundles>
